<compile_context>
chip_gen: v7x
topology: tpu7x:2x2x1
jax: 0.10.2.dev20260603
libtpu: 0.0.44.dev20260713+nightly
codegen_flags: <defaults>
</compile_context>

<pallas_src>
import functools

import jax
import jax.numpy as jnp
from jax import lax
from jax.experimental import pallas as pl
from jax.experimental.pallas import tpu as pltpu
from jax.experimental.pallas import tpu_sc as plsc

N = 10000
D = 128
E = 320000
G = 64

NC = 2
NS = 16
NW = NC * NS

CHUNK = 128
EPW_CHUNKS = 80
EPW = CHUNK * EPW_CHUNKS
E_PAD = NW * EPW
AGG_ROWS = 10112
ZROWS = AGG_ROWS // NS


@functools.partial(
    pl.kernel,
    out_type=jax.ShapeDtypeStruct((NC, AGG_ROWS, D), jnp.float32),
    mesh=plsc.VectorSubcoreMesh(core_axis_name="c", subcore_axis_name="s"),
    scratch_types=[
        pltpu.VMEM((EPW_CHUNKS, CHUNK), jnp.int32),
        pltpu.VMEM((EPW_CHUNKS, CHUNK), jnp.int32),
        pltpu.VMEM((CHUNK, D), jnp.float32),
        pltpu.VMEM_SHARED((AGG_ROWS, D), jnp.float32),
        pltpu.SemaphoreType.DMA,
    ],
)
def _sc_scatter(h_hbm, src_hbm, dst_hbm, zero_hbm, out_hbm,
                src_v, dst_v, rows_v, agg_sh, sem):
    c = lax.axis_index("c")
    s = lax.axis_index("s")
    wid = c * NS + s

    pltpu.sync_copy(zero_hbm, agg_sh.at[pl.ds(s * ZROWS, ZROWS)])
    pltpu.sync_copy(src_hbm.at[wid], src_v)
    pltpu.sync_copy(dst_hbm.at[wid], dst_v)
    plsc.subcore_barrier()

    def step(j, carry):
        pltpu.async_copy(h_hbm.at[src_v.at[j]], rows_v, sem).wait()
        pltpu.sync_copy(rows_v, agg_sh.at[dst_v.at[j]], add=True)
        return carry

    lax.fori_loop(0, EPW_CHUNKS, step, 0)
    plsc.subcore_barrier()

    pltpu.sync_copy(agg_sh.at[pl.ds(s * ZROWS, ZROWS)],
                    out_hbm.at[c, pl.ds(s * ZROWS, ZROWS)])


R = 1000
NB = N // R


def _leaky(v):
    return jnp.where(v >= 0, v, 0.2 * v)


def _mlp_block(h_ref, p_ref, wa_ref, ba_ref, wb_ref, bb_ref):
    m = h_ref[...] + p_ref[0] + p_ref[1]
    y = _leaky(jnp.dot(m, wa_ref[...], preferred_element_type=jnp.float32)
               + ba_ref[...])
    return _leaky(jnp.dot(y, wb_ref[...], preferred_element_type=jnp.float32)
                  + bb_ref[...])


def _mlp_body(h_ref, p_ref, wa_ref, ba_ref, wb_ref, bb_ref, o_ref):
    o_ref[...] = _mlp_block(h_ref, p_ref, wa_ref, ba_ref, wb_ref, bb_ref)


def _mlp(h, parts, wa, ba, wb, bb):
    return pl.pallas_call(
        _mlp_body,
        grid=(NB,),
        in_specs=[
            pl.BlockSpec((R, D), lambda i: (i, 0)),
            pl.BlockSpec((NC, R, D), lambda i: (0, i, 0)),
            pl.BlockSpec((D, D), lambda i: (0, 0)),
            pl.BlockSpec((1, D), lambda i: (0, 0)),
            pl.BlockSpec((D, D), lambda i: (0, 0)),
            pl.BlockSpec((1, D), lambda i: (0, 0)),
        ],
        out_specs=pl.BlockSpec((R, D), lambda i: (i, 0)),
        out_shape=jax.ShapeDtypeStruct((N, D), jnp.float32),
    )(h, parts, wa, ba, wb, bb)


def _final_body(h_ref, p_ref, wa_ref, ba_ref, wb_ref, bb_ref,
                lng_ref, lnb_ref, batch_ref,
                bng_ref, bnb_ref, bnm_ref, bnv_ref,
                node_ref, graph_ref, acc_ref):
    i = pl.program_id(0)
    z = _mlp_block(h_ref, p_ref, wa_ref, ba_ref, wb_ref, bb_ref)

    mu = jnp.mean(z, axis=-1, keepdims=True)
    var = jnp.mean((z - mu) ** 2, axis=-1, keepdims=True)
    node = (z - mu) * lax.rsqrt(var + 1e-5) * lng_ref[...] + lnb_ref[...]
    node_ref[...] = node

    b = batch_ref[0]
    iota_g = lax.broadcasted_iota(jnp.int32, (G, R), 0)
    onehot = (iota_g == b).astype(jnp.float32)
    contrib = lax.dot_general(onehot, node, (((1,), (0,)), ((), ())),
                              preferred_element_type=jnp.float32)

    @pl.when(i == 0)
    def _():
        acc_ref[...] = jnp.zeros_like(acc_ref)

    acc_ref[...] += contrib

    @pl.when(i == NB - 1)
    def _():
        inv = lax.rsqrt(bnv_ref[...] + 1e-5)
        graph_ref[...] = ((acc_ref[...] - bnm_ref[...]) * inv * bng_ref[...]
                          + bnb_ref[...])


def _mlp_final(h, parts, wa, ba, wb, bb, ln_g, ln_b, batch3, bn_g, bn_b, bn_m, bn_v):
    vec = pl.BlockSpec((1, D), lambda i: (0, 0))
    return pl.pallas_call(
        _final_body,
        grid=(NB,),
        in_specs=[
            pl.BlockSpec((R, D), lambda i: (i, 0)),
            pl.BlockSpec((NC, R, D), lambda i: (0, i, 0)),
            pl.BlockSpec((D, D), lambda i: (0, 0)),
            vec,
            pl.BlockSpec((D, D), lambda i: (0, 0)),
            vec,
            vec,
            vec,
            pl.BlockSpec((1, 1, R), lambda i: (i, 0, 0)),
            vec,
            vec,
            vec,
            vec,
        ],
        out_specs=[
            pl.BlockSpec((R, D), lambda i: (i, 0)),
            pl.BlockSpec((G, D), lambda i: (0, 0)),
        ],
        out_shape=[
            jax.ShapeDtypeStruct((N, D), jnp.float32),
            jax.ShapeDtypeStruct((G, D), jnp.float32),
        ],
        scratch_shapes=[pltpu.VMEM((G, D), jnp.float32)],
    )(h, parts, wa, ba, wb, bb, ln_g, ln_b, batch3, bn_g, bn_b, bn_m, bn_v)


def kernel(x, edge_index, batch, W0a, b0a, W0b, b0b, W1a, b1a, W1b, b1b,
           W2a, b2a, W2b, b2b, ln_g, ln_b, bn_g, bn_b, bn_m, bn_v):
    pad = E_PAD - E
    src_p = jnp.concatenate(
        [edge_index[0], jnp.zeros((pad,), jnp.int32)]).reshape(NW, EPW_CHUNKS, CHUNK)
    dst_p = jnp.concatenate(
        [edge_index[1], jnp.full((pad,), N, jnp.int32)]).reshape(NW, EPW_CHUNKS, CHUNK)
    zero = jnp.zeros((ZROWS, D), jnp.float32)
    batch3 = batch.reshape(NB, 1, R)

    r2 = lambda v: v.reshape(1, D)
    layers = [(W0a, r2(b0a), W0b, r2(b0b)),
              (W1a, r2(b1a), W1b, r2(b1b)),
              (W2a, r2(b2a), W2b, r2(b2b))]

    h = x
    for l, (wa, ba, wb, bb) in enumerate(layers):
        parts = _sc_scatter(h, src_p, dst_p, zero)
        if l < 2:
            h = _mlp(h, parts, wa, ba, wb, bb)
        else:
            node, graph = _mlp_final(h, parts, wa, ba, wb, bb,
                                     r2(ln_g), r2(ln_b), batch3,
                                     r2(bn_g), r2(bn_b), r2(bn_m), r2(bn_v))
    return node, graph

# --- scband reference (transcript-rebuilt; emitter-appended) ---
"""Pipeline reference for scband-node-encoder-25563645346495 (READ-ONLY COPY).

The authoritative reference and input builder live on the scoring server;
editing this copy changes nothing except your own understanding.
"""

import jax, jax.numpy as jnp
import numpy as np

N = 10000
E = 320000
D = 128
H = 128
L = 3
G = 64


def leaky_relu(x):
    return jnp.where(x >= 0, x, 0.2 * x)


def setup_inputs(seed: int = 0) -> dict:
    key = jax.random.key(seed)
    ks = jax.random.split(key, 20)
    inp = {}
    inp["x"] = jax.random.normal(ks[0], (N, D), dtype=jnp.float32)
    inp["edge_index"] = jax.random.randint(ks[1], (2, E), 0, N, dtype=jnp.int32)
    inp["batch"] = jnp.sort(jax.random.randint(ks[2], (N,), 0, G, dtype=jnp.int32))
    s = 0.05
    for l in range(L):
        din = D if l == 0 else H
        inp[f"W{l}a"] = jax.random.normal(ks[3 + 4 * l], (din, H), dtype=jnp.float32) * s
        inp[f"b{l}a"] = jnp.zeros((H,), dtype=jnp.float32)
        inp[f"W{l}b"] = jax.random.normal(ks[4 + 4 * l], (H, H), dtype=jnp.float32) * s
        inp[f"b{l}b"] = jnp.zeros((H,), dtype=jnp.float32)
    inp["ln_g"] = jnp.ones((H,), jnp.float32)
    inp["ln_b"] = jnp.zeros((H,), jnp.float32)
    inp["bn_g"] = jnp.ones((H,), jnp.float32)
    inp["bn_b"] = jnp.zeros((H,), jnp.float32)
    inp["bn_m"] = jnp.zeros((H,), jnp.float32)
    inp["bn_v"] = jnp.ones((H,), jnp.float32)
    return inp


def reference(x, edge_index, batch, W0a, b0a, W0b, b0b, W1a, b1a, W1b, b1b, W2a, b2a, W2b, b2b, ln_g, ln_b, bn_g, bn_b, bn_m, bn_v):
    # GINConv stack (eps=0, train_eps=False): h_i' = MLP((1+eps)*h_i + sum_{j->i} h_j)
    src = edge_index[0]
    dst = edge_index[1]
    layers = [(W0a, b0a, W0b, b0b), (W1a, b1a, W1b, b1b), (W2a, b2a, W2b, b2b)]
    h = x
    for (Wa, ba, Wb, bb) in layers:
        agg = jnp.zeros_like(h).at[dst].add(h[src])
        m = h + agg
        m = leaky_relu(m @ Wa + ba)
        m = leaky_relu(m @ Wb + bb)
        h = m  # dropout is identity in eval mode
    # LayerNorm over feature dim
    mu = jnp.mean(h, axis=-1, keepdims=True)
    var = jnp.mean((h - mu) ** 2, axis=-1, keepdims=True)
    node = (h - mu) / jnp.sqrt(var + 1e-5) * ln_g + ln_b
    # global_add_pool via segment_sum over graph ids
    graph = jax.ops.segment_sum(node, batch, num_segments=G)
    # BatchNorm1d in eval mode with running stats
    graph = (graph - bn_m) / jnp.sqrt(bn_v + 1e-5) * bn_g + bn_b
    return node, graph

if __name__ == "__main__":
    import jax
    _d = setup_inputs()
    print(jax.jit(kernel)(*tuple(_d.values())))

</pallas_src>

<mosaic_0001>
#map = affine_map<(d0, d1) -> (0, 0)>
#map1 = affine_map<(d0, d1) -> (0, 0, 0)>
module attributes {stable_mosaic.version = 14 : i64} {
  func.func @_sc_scatter(%arg0: i32, %arg1: i32, %arg2: memref<10000x128xf32, #tpu.memory_space<hbm>>, %arg3: memref<32x80x128xi32, #tpu.memory_space<hbm>>, %arg4: memref<32x80x128xi32, #tpu.memory_space<hbm>>, %arg5: memref<632x128xf32, #tpu.memory_space<hbm>>, %arg6: memref<2x10112x128xf32, #tpu.memory_space<hbm>>, %arg7: memref<80x128xi32, #tpu.memory_space<vmem>>, %arg8: memref<80x128xi32, #tpu.memory_space<vmem>>, %arg9: memref<128x128xf32, #tpu.memory_space<vmem>>, %arg10: memref<10112x128xf32, #tpu.memory_space<vmem_shared>>, %arg11: memref<!tpu.dma_semaphore, #tpu.memory_space<semaphore_mem>>) attributes {dimension_semantics = [#tpu.dimension_semantics<core_parallel>, #tpu.dimension_semantics<subcore_parallel>], iteration_bounds = array<i64: 2, 16>, scalar_prefetch = 0 : i64, scratch_operands = 5 : i64, tpu.core_type = #tpu.core_type<sc_vector_subcore>, window_params = [{transform_indices = #map}, {transform_indices = #map1}, {transform_indices = #map1}, {transform_indices = #map}, {transform_indices = #map1}]} {
    %mul3A = arith.constant 16 : i32
    %mul3A_0 = arith.muli %arg0, %mul3A : i32
    %add3A = arith.addi %mul3A_0, %arg1 : i32
    %mul3A_1 = arith.constant 632 : i32
    %mul3A_2 = arith.muli %arg1, %mul3A_1 : i32
    "tpu.region"() ({
      %run_scoped3A = tpu.sem_alloc : memref<!tpu.dma_semaphore, #tpu.memory_space<semaphore_mem>>
      %dma_start3A = arith.constant 0 : i32
      %dma_start3A_13 = tpu.memref_slice %arg10[%mul3A_2, %dma_start3A] : memref<10112x128xf32, #tpu.memory_space<vmem_shared>> -> memref<632x128xf32, #tpu.memory_space<vmem_shared>>
      tpu.enqueue_dma source(%arg5 : memref<632x128xf32, #tpu.memory_space<hbm>>) target(%dma_start3A_13 : memref<632x128xf32, #tpu.memory_space<vmem_shared>>) target_semaphore(%run_scoped3A : memref<!tpu.dma_semaphore, #tpu.memory_space<semaphore_mem>>)
      %dma_wait3A = arith.constant 0 : i32
      %dma_wait3A_14 = tpu.memref_slice %arg10[%mul3A_2, %dma_wait3A] : memref<10112x128xf32, #tpu.memory_space<vmem_shared>> -> memref<632x128xf32, #tpu.memory_space<vmem_shared>>
      tpu.wait_dma2 semaphore(%run_scoped3A : memref<!tpu.dma_semaphore, #tpu.memory_space<semaphore_mem>>) src(%arg5 : memref<632x128xf32, #tpu.memory_space<hbm>>) dst(%dma_wait3A_14 : memref<632x128xf32, #tpu.memory_space<vmem_shared>>)
      tpu.yield
    }) : () -> ()
    "tpu.region"() ({
      %run_scoped3A = tpu.sem_alloc : memref<!tpu.dma_semaphore, #tpu.memory_space<semaphore_mem>>
      %dma_start3A = arith.constant 0 : i32
      %dma_start3A_13 = arith.constant 0 : i32
      %dma_start3A_14 = tpu.memref_slice %arg3[%add3A, %dma_start3A, %dma_start3A_13] : memref<32x80x128xi32, #tpu.memory_space<hbm>> -> memref<1x80x128xi32, #tpu.memory_space<hbm>>
      %dma_start3A_15 = tpu.memref_squeeze %dma_start3A_14 : memref<1x80x128xi32, #tpu.memory_space<hbm>> -> memref<80x128xi32, #tpu.memory_space<hbm>>
      %dma_start3A_16 = arith.constant 0 : i32
      %dma_start3A_17 = arith.constant 0 : i32
      %dma_start3A_18 = tpu.memref_slice %arg3[%add3A, %dma_start3A_16, %dma_start3A_17] : memref<32x80x128xi32, #tpu.memory_space<hbm>> -> memref<1x80x128xi32, #tpu.memory_space<hbm>>
      %dma_start3A_19 = tpu.memref_squeeze %dma_start3A_18 : memref<1x80x128xi32, #tpu.memory_space<hbm>> -> memref<80x128xi32, #tpu.memory_space<hbm>>
      tpu.enqueue_dma source(%dma_start3A_19 : memref<80x128xi32, #tpu.memory_space<hbm>>) target(%arg7 : memref<80x128xi32, #tpu.memory_space<vmem>>) target_semaphore(%run_scoped3A : memref<!tpu.dma_semaphore, #tpu.memory_space<semaphore_mem>>)
      %dma_wait3A = arith.constant 0 : i32
      %dma_wait3A_20 = arith.constant 0 : i32
      %dma_wait3A_21 = tpu.memref_slice %arg3[%add3A, %dma_wait3A, %dma_wait3A_20] : memref<32x80x128xi32, #tpu.memory_space<hbm>> -> memref<1x80x128xi32, #tpu.memory_space<hbm>>
      %dma_wait3A_22 = tpu.memref_squeeze %dma_wait3A_21 : memref<1x80x128xi32, #tpu.memory_space<hbm>> -> memref<80x128xi32, #tpu.memory_space<hbm>>
      %dma_wait3A_23 = arith.constant 0 : i32
      %dma_wait3A_24 = arith.constant 0 : i32
      %dma_wait3A_25 = tpu.memref_slice %arg3[%add3A, %dma_wait3A_23, %dma_wait3A_24] : memref<32x80x128xi32, #tpu.memory_space<hbm>> -> memref<1x80x128xi32, #tpu.memory_space<hbm>>
      %dma_wait3A_26 = tpu.memref_squeeze %dma_wait3A_25 : memref<1x80x128xi32, #tpu.memory_space<hbm>> -> memref<80x128xi32, #tpu.memory_space<hbm>>
      tpu.wait_dma2 semaphore(%run_scoped3A : memref<!tpu.dma_semaphore, #tpu.memory_space<semaphore_mem>>) src(%dma_wait3A_26 : memref<80x128xi32, #tpu.memory_space<hbm>>) dst(%arg7 : memref<80x128xi32, #tpu.memory_space<vmem>>)
      tpu.yield
    }) : () -> ()
    "tpu.region"() ({
      %run_scoped3A = tpu.sem_alloc : memref<!tpu.dma_semaphore, #tpu.memory_space<semaphore_mem>>
      %dma_start3A = arith.constant 0 : i32
      %dma_start3A_13 = arith.constant 0 : i32
      %dma_start3A_14 = tpu.memref_slice %arg4[%add3A, %dma_start3A, %dma_start3A_13] : memref<32x80x128xi32, #tpu.memory_space<hbm>> -> memref<1x80x128xi32, #tpu.memory_space<hbm>>
      %dma_start3A_15 = tpu.memref_squeeze %dma_start3A_14 : memref<1x80x128xi32, #tpu.memory_space<hbm>> -> memref<80x128xi32, #tpu.memory_space<hbm>>
      %dma_start3A_16 = arith.constant 0 : i32
      %dma_start3A_17 = arith.constant 0 : i32
      %dma_start3A_18 = tpu.memref_slice %arg4[%add3A, %dma_start3A_16, %dma_start3A_17] : memref<32x80x128xi32, #tpu.memory_space<hbm>> -> memref<1x80x128xi32, #tpu.memory_space<hbm>>
      %dma_start3A_19 = tpu.memref_squeeze %dma_start3A_18 : memref<1x80x128xi32, #tpu.memory_space<hbm>> -> memref<80x128xi32, #tpu.memory_space<hbm>>
      tpu.enqueue_dma source(%dma_start3A_19 : memref<80x128xi32, #tpu.memory_space<hbm>>) target(%arg8 : memref<80x128xi32, #tpu.memory_space<vmem>>) target_semaphore(%run_scoped3A : memref<!tpu.dma_semaphore, #tpu.memory_space<semaphore_mem>>)
      %dma_wait3A = arith.constant 0 : i32
      %dma_wait3A_20 = arith.constant 0 : i32
      %dma_wait3A_21 = tpu.memref_slice %arg4[%add3A, %dma_wait3A, %dma_wait3A_20] : memref<32x80x128xi32, #tpu.memory_space<hbm>> -> memref<1x80x128xi32, #tpu.memory_space<hbm>>
      %dma_wait3A_22 = tpu.memref_squeeze %dma_wait3A_21 : memref<1x80x128xi32, #tpu.memory_space<hbm>> -> memref<80x128xi32, #tpu.memory_space<hbm>>
      %dma_wait3A_23 = arith.constant 0 : i32
      %dma_wait3A_24 = arith.constant 0 : i32
      %dma_wait3A_25 = tpu.memref_slice %arg4[%add3A, %dma_wait3A_23, %dma_wait3A_24] : memref<32x80x128xi32, #tpu.memory_space<hbm>> -> memref<1x80x128xi32, #tpu.memory_space<hbm>>
      %dma_wait3A_26 = tpu.memref_squeeze %dma_wait3A_25 : memref<1x80x128xi32, #tpu.memory_space<hbm>> -> memref<80x128xi32, #tpu.memory_space<hbm>>
      tpu.wait_dma2 semaphore(%run_scoped3A : memref<!tpu.dma_semaphore, #tpu.memory_space<semaphore_mem>>) src(%dma_wait3A_26 : memref<80x128xi32, #tpu.memory_space<hbm>>) dst(%arg8 : memref<80x128xi32, #tpu.memory_space<vmem>>)
      tpu.yield
    }) : () -> ()
    %barrier3A = arith.constant 0 : index
    tpu.barrier barrier_id(%barrier3A)
    %scan3A = arith.constant 0 : i32
    %scan3A_3 = arith.constant 0 : i32
    %scan3A_4 = arith.constant 80 : i32
    %scan3A_5 = arith.addi %scan3A_3, %scan3A_4 : i32
    %scan3A_6 = arith.constant 1 : i32
    scf.for %scan3A_13 = %scan3A_3 to %scan3A_5 step %scan3A_6  : i32 {
      %dma_start3A = arith.constant 0 : i32
      %dma_start3A_14 = tpu.memref_slice %arg7[%scan3A_13, %dma_start3A] : memref<80x128xi32, #tpu.memory_space<vmem>> -> memref<1x128xi32, #tpu.memory_space<vmem>>
      %dma_start3A_15 = tpu.memref_squeeze %dma_start3A_14 : memref<1x128xi32, #tpu.memory_space<vmem>> -> memref<128xi32, #tpu.memory_space<vmem>>
      %dma_start3A_16 = arith.constant 0 : i32
      %dma_start3A_17 = arith.constant 0 : i32
      %dma_start3A_18 = tpu.memref_slice %arg2[%dma_start3A_16, %dma_start3A_17] : memref<10000x128xf32, #tpu.memory_space<hbm>> -> memref<10000x128xf32, #tpu.memory_space<hbm>>
      tpu.enqueue_indirect_dma source(%dma_start3A_18 : memref<10000x128xf32, #tpu.memory_space<hbm>>) target(%arg9 : memref<128x128xf32, #tpu.memory_space<vmem>>) offsets(%dma_start3A_15 : memref<128xi32, #tpu.memory_space<vmem>>) semaphore(%arg11 : memref<!tpu.dma_semaphore, #tpu.memory_space<semaphore_mem>>)
      %dma_wait3A = arith.constant 0 : i32
      %dma_wait3A_19 = tpu.memref_slice %arg7[%scan3A_13, %dma_wait3A] : memref<80x128xi32, #tpu.memory_space<vmem>> -> memref<1x128xi32, #tpu.memory_space<vmem>>
      %dma_wait3A_20 = tpu.memref_squeeze %dma_wait3A_19 : memref<1x128xi32, #tpu.memory_space<vmem>> -> memref<128xi32, #tpu.memory_space<vmem>>
      %dma_wait3A_21 = arith.constant 0 : i32
      %dma_wait3A_22 = arith.constant 0 : i32
      %dma_wait3A_23 = tpu.memref_slice %arg2[%dma_wait3A_21, %dma_wait3A_22] : memref<10000x128xf32, #tpu.memory_space<hbm>> -> memref<10000x128xf32, #tpu.memory_space<hbm>>
      tpu.wait_indirect_dma semaphore(%arg11 : memref<!tpu.dma_semaphore, #tpu.memory_space<semaphore_mem>>) src(%dma_wait3A_23 : memref<10000x128xf32, #tpu.memory_space<hbm>>) dst(%arg9 : memref<128x128xf32, #tpu.memory_space<vmem>>)
      "tpu.region"() ({
        %run_scoped3A = tpu.sem_alloc : memref<!tpu.dma_semaphore, #tpu.memory_space<semaphore_mem>>
        %dma_start3A_24 = arith.constant 0 : i32
        %dma_start3A_25 = tpu.memref_slice %arg8[%scan3A_13, %dma_start3A_24] : memref<80x128xi32, #tpu.memory_space<vmem>> -> memref<1x128xi32, #tpu.memory_space<vmem>>
        %dma_start3A_26 = tpu.memref_squeeze %dma_start3A_25 : memref<1x128xi32, #tpu.memory_space<vmem>> -> memref<128xi32, #tpu.memory_space<vmem>>
        %dma_start3A_27 = arith.constant 0 : i32
        %dma_start3A_28 = arith.constant 0 : i32
        %dma_start3A_29 = tpu.memref_slice %arg10[%dma_start3A_27, %dma_start3A_28] : memref<10112x128xf32, #tpu.memory_space<vmem_shared>> -> memref<10112x128xf32, #tpu.memory_space<vmem_shared>>
        tpu.enqueue_indirect_dma source(%arg9 : memref<128x128xf32, #tpu.memory_space<vmem>>) target(%dma_start3A_29 : memref<10112x128xf32, #tpu.memory_space<vmem_shared>>) offsets(%dma_start3A_26 : memref<128xi32, #tpu.memory_space<vmem>>) semaphore(%run_scoped3A : memref<!tpu.dma_semaphore, #tpu.memory_space<semaphore_mem>>) {add = true}
        %dma_wait3A_30 = arith.constant 0 : i32
        %dma_wait3A_31 = tpu.memref_slice %arg8[%scan3A_13, %dma_wait3A_30] : memref<80x128xi32, #tpu.memory_space<vmem>> -> memref<1x128xi32, #tpu.memory_space<vmem>>
        %dma_wait3A_32 = tpu.memref_squeeze %dma_wait3A_31 : memref<1x128xi32, #tpu.memory_space<vmem>> -> memref<128xi32, #tpu.memory_space<vmem>>
        %dma_wait3A_33 = arith.constant 0 : i32
        %dma_wait3A_34 = arith.constant 0 : i32
        %dma_wait3A_35 = tpu.memref_slice %arg10[%dma_wait3A_33, %dma_wait3A_34] : memref<10112x128xf32, #tpu.memory_space<vmem_shared>> -> memref<10112x128xf32, #tpu.memory_space<vmem_shared>>
        tpu.wait_indirect_dma semaphore(%run_scoped3A : memref<!tpu.dma_semaphore, #tpu.memory_space<semaphore_mem>>) src(%arg9 : memref<128x128xf32, #tpu.memory_space<vmem>>) dst(%dma_wait3A_35 : memref<10112x128xf32, #tpu.memory_space<vmem_shared>>)
        tpu.yield
      }) : () -> ()
    }
    %scan3A_7 = arith.constant 80 : i32
    %barrier3A_8 = arith.constant 0 : index
    tpu.barrier barrier_id(%barrier3A_8)
    %mul3A_9 = arith.constant 632 : i32
    %mul3A_10 = arith.muli %arg1, %mul3A_9 : i32
    %mul3A_11 = arith.constant 632 : i32
    %mul3A_12 = arith.muli %arg1, %mul3A_11 : i32
    "tpu.region"() ({
      %run_scoped3A = tpu.sem_alloc : memref<!tpu.dma_semaphore, #tpu.memory_space<semaphore_mem>>
      %dma_start3A = arith.constant 0 : i32
      %dma_start3A_13 = tpu.memref_slice %arg6[%arg0, %mul3A_12, %dma_start3A] : memref<2x10112x128xf32, #tpu.memory_space<hbm>> -> memref<1x632x128xf32, #tpu.memory_space<hbm>>
      %dma_start3A_14 = tpu.memref_squeeze %dma_start3A_13 : memref<1x632x128xf32, #tpu.memory_space<hbm>> -> memref<632x128xf32, #tpu.memory_space<hbm>>
      %dma_start3A_15 = arith.constant 0 : i32
      %dma_start3A_16 = tpu.memref_slice %arg10[%mul3A_10, %dma_start3A_15] : memref<10112x128xf32, #tpu.memory_space<vmem_shared>> -> memref<632x128xf32, #tpu.memory_space<vmem_shared>>
      tpu.enqueue_dma source(%dma_start3A_16 : memref<632x128xf32, #tpu.memory_space<vmem_shared>>) target(%dma_start3A_14 : memref<632x128xf32, #tpu.memory_space<hbm>>) target_semaphore(%run_scoped3A : memref<!tpu.dma_semaphore, #tpu.memory_space<semaphore_mem>>)
      %dma_wait3A = arith.constant 0 : i32
      %dma_wait3A_17 = tpu.memref_slice %arg6[%arg0, %mul3A_12, %dma_wait3A] : memref<2x10112x128xf32, #tpu.memory_space<hbm>> -> memref<1x632x128xf32, #tpu.memory_space<hbm>>
      %dma_wait3A_18 = tpu.memref_squeeze %dma_wait3A_17 : memref<1x632x128xf32, #tpu.memory_space<hbm>> -> memref<632x128xf32, #tpu.memory_space<hbm>>
      %dma_wait3A_19 = arith.constant 0 : i32
      %dma_wait3A_20 = tpu.memref_slice %arg10[%mul3A_10, %dma_wait3A_19] : memref<10112x128xf32, #tpu.memory_space<vmem_shared>> -> memref<632x128xf32, #tpu.memory_space<vmem_shared>>
      tpu.wait_dma2 semaphore(%run_scoped3A : memref<!tpu.dma_semaphore, #tpu.memory_space<semaphore_mem>>) src(%dma_wait3A_20 : memref<632x128xf32, #tpu.memory_space<vmem_shared>>) dst(%dma_wait3A_18 : memref<632x128xf32, #tpu.memory_space<hbm>>)
      tpu.yield
    }) : () -> ()
    return
  }
}

#map = affine_map<(d0, d1) -> (0, 0)>
#map1 = affine_map<(d0, d1) -> (0, 0, 0)>
module attributes {stable_mosaic.version = 14 : i64} {
  func.func @_sc_scatter(%arg0: i32, %arg1: i32, %arg2: memref<10000x128xf32, #tpu.memory_space<hbm>>, %arg3: memref<32x80x128xi32, #tpu.memory_space<hbm>>, %arg4: memref<32x80x128xi32, #tpu.memory_space<hbm>>, %arg5: memref<632x128xf32, #tpu.memory_space<hbm>>, %arg6: memref<2x10112x128xf32, #tpu.memory_space<hbm>>, %arg7: memref<80x128xi32, #tpu.memory_space<vmem>>, %arg8: memref<80x128xi32, #tpu.memory_space<vmem>>, %arg9: memref<128x128xf32, #tpu.memory_space<vmem>>, %arg10: memref<10112x128xf32, #tpu.memory_space<vmem_shared>>, %arg11: memref<!tpu.dma_semaphore, #tpu.memory_space<semaphore_mem>>) attributes {dimension_semantics = [#tpu.dimension_semantics<core_parallel>, #tpu.dimension_semantics<subcore_parallel>], iteration_bounds = array<i64: 2, 16>, scalar_prefetch = 0 : i64, scratch_operands = 5 : i64, tpu.core_type = #tpu.core_type<sc_vector_subcore>, window_params = [{transform_indices = #map}, {transform_indices = #map1}, {transform_indices = #map1}, {transform_indices = #map}, {transform_indices = #map1}]} {
    %mul3A = arith.constant 16 : i32
    %mul3A_0 = arith.muli %arg0, %mul3A : i32
    %add3A = arith.addi %mul3A_0, %arg1 : i32
    %mul3A_1 = arith.constant 632 : i32
    %mul3A_2 = arith.muli %arg1, %mul3A_1 : i32
    "tpu.region"() ({
      %run_scoped3A = tpu.sem_alloc : memref<!tpu.dma_semaphore, #tpu.memory_space<semaphore_mem>>
      %dma_start3A = arith.constant 0 : i32
      %dma_start3A_13 = tpu.memref_slice %arg10[%mul3A_2, %dma_start3A] : memref<10112x128xf32, #tpu.memory_space<vmem_shared>> -> memref<632x128xf32, #tpu.memory_space<vmem_shared>>
      tpu.enqueue_dma source(%arg5 : memref<632x128xf32, #tpu.memory_space<hbm>>) target(%dma_start3A_13 : memref<632x128xf32, #tpu.memory_space<vmem_shared>>) target_semaphore(%run_scoped3A : memref<!tpu.dma_semaphore, #tpu.memory_space<semaphore_mem>>)
      %dma_wait3A = arith.constant 0 : i32
      %dma_wait3A_14 = tpu.memref_slice %arg10[%mul3A_2, %dma_wait3A] : memref<10112x128xf32, #tpu.memory_space<vmem_shared>> -> memref<632x128xf32, #tpu.memory_space<vmem_shared>>
      tpu.wait_dma2 semaphore(%run_scoped3A : memref<!tpu.dma_semaphore, #tpu.memory_space<semaphore_mem>>) src(%arg5 : memref<632x128xf32, #tpu.memory_space<hbm>>) dst(%dma_wait3A_14 : memref<632x128xf32, #tpu.memory_space<vmem_shared>>)
      tpu.yield
    }) : () -> ()
    "tpu.region"() ({
      %run_scoped3A = tpu.sem_alloc : memref<!tpu.dma_semaphore, #tpu.memory_space<semaphore_mem>>
      %dma_start3A = arith.constant 0 : i32
      %dma_start3A_13 = arith.constant 0 : i32
      %dma_start3A_14 = tpu.memref_slice %arg3[%add3A, %dma_start3A, %dma_start3A_13] : memref<32x80x128xi32, #tpu.memory_space<hbm>> -> memref<1x80x128xi32, #tpu.memory_space<hbm>>
      %dma_start3A_15 = tpu.memref_squeeze %dma_start3A_14 : memref<1x80x128xi32, #tpu.memory_space<hbm>> -> memref<80x128xi32, #tpu.memory_space<hbm>>
      %dma_start3A_16 = arith.constant 0 : i32
      %dma_start3A_17 = arith.constant 0 : i32
      %dma_start3A_18 = tpu.memref_slice %arg3[%add3A, %dma_start3A_16, %dma_start3A_17] : memref<32x80x128xi32, #tpu.memory_space<hbm>> -> memref<1x80x128xi32, #tpu.memory_space<hbm>>
      %dma_start3A_19 = tpu.memref_squeeze %dma_start3A_18 : memref<1x80x128xi32, #tpu.memory_space<hbm>> -> memref<80x128xi32, #tpu.memory_space<hbm>>
      tpu.enqueue_dma source(%dma_start3A_19 : memref<80x128xi32, #tpu.memory_space<hbm>>) target(%arg7 : memref<80x128xi32, #tpu.memory_space<vmem>>) target_semaphore(%run_scoped3A : memref<!tpu.dma_semaphore, #tpu.memory_space<semaphore_mem>>)
      %dma_wait3A = arith.constant 0 : i32
      %dma_wait3A_20 = arith.constant 0 : i32
      %dma_wait3A_21 = tpu.memref_slice %arg3[%add3A, %dma_wait3A, %dma_wait3A_20] : memref<32x80x128xi32, #tpu.memory_space<hbm>> -> memref<1x80x128xi32, #tpu.memory_space<hbm>>
      %dma_wait3A_22 = tpu.memref_squeeze %dma_wait3A_21 : memref<1x80x128xi32, #tpu.memory_space<hbm>> -> memref<80x128xi32, #tpu.memory_space<hbm>>
      %dma_wait3A_23 = arith.constant 0 : i32
      %dma_wait3A_24 = arith.constant 0 : i32
      %dma_wait3A_25 = tpu.memref_slice %arg3[%add3A, %dma_wait3A_23, %dma_wait3A_24] : memref<32x80x128xi32, #tpu.memory_space<hbm>> -> memref<1x80x128xi32, #tpu.memory_space<hbm>>
      %dma_wait3A_26 = tpu.memref_squeeze %dma_wait3A_25 : memref<1x80x128xi32, #tpu.memory_space<hbm>> -> memref<80x128xi32, #tpu.memory_space<hbm>>
      tpu.wait_dma2 semaphore(%run_scoped3A : memref<!tpu.dma_semaphore, #tpu.memory_space<semaphore_mem>>) src(%dma_wait3A_26 : memref<80x128xi32, #tpu.memory_space<hbm>>) dst(%arg7 : memref<80x128xi32, #tpu.memory_space<vmem>>)
      tpu.yield
    }) : () -> ()
    "tpu.region"() ({
      %run_scoped3A = tpu.sem_alloc : memref<!tpu.dma_semaphore, #tpu.memory_space<semaphore_mem>>
      %dma_start3A = arith.constant 0 : i32
      %dma_start3A_13 = arith.constant 0 : i32
      %dma_start3A_14 = tpu.memref_slice %arg4[%add3A, %dma_start3A, %dma_start3A_13] : memref<32x80x128xi32, #tpu.memory_space<hbm>> -> memref<1x80x128xi32, #tpu.memory_space<hbm>>
      %dma_start3A_15 = tpu.memref_squeeze %dma_start3A_14 : memref<1x80x128xi32, #tpu.memory_space<hbm>> -> memref<80x128xi32, #tpu.memory_space<hbm>>
      %dma_start3A_16 = arith.constant 0 : i32
      %dma_start3A_17 = arith.constant 0 : i32
      %dma_start3A_18 = tpu.memref_slice %arg4[%add3A, %dma_start3A_16, %dma_start3A_17] : memref<32x80x128xi32, #tpu.memory_space<hbm>> -> memref<1x80x128xi32, #tpu.memory_space<hbm>>
      %dma_start3A_19 = tpu.memref_squeeze %dma_start3A_18 : memref<1x80x128xi32, #tpu.memory_space<hbm>> -> memref<80x128xi32, #tpu.memory_space<hbm>>
      tpu.enqueue_dma source(%dma_start3A_19 : memref<80x128xi32, #tpu.memory_space<hbm>>) target(%arg8 : memref<80x128xi32, #tpu.memory_space<vmem>>) target_semaphore(%run_scoped3A : memref<!tpu.dma_semaphore, #tpu.memory_space<semaphore_mem>>)
      %dma_wait3A = arith.constant 0 : i32
      %dma_wait3A_20 = arith.constant 0 : i32
      %dma_wait3A_21 = tpu.memref_slice %arg4[%add3A, %dma_wait3A, %dma_wait3A_20] : memref<32x80x128xi32, #tpu.memory_space<hbm>> -> memref<1x80x128xi32, #tpu.memory_space<hbm>>
      %dma_wait3A_22 = tpu.memref_squeeze %dma_wait3A_21 : memref<1x80x128xi32, #tpu.memory_space<hbm>> -> memref<80x128xi32, #tpu.memory_space<hbm>>
      %dma_wait3A_23 = arith.constant 0 : i32
      %dma_wait3A_24 = arith.constant 0 : i32
      %dma_wait3A_25 = tpu.memref_slice %arg4[%add3A, %dma_wait3A_23, %dma_wait3A_24] : memref<32x80x128xi32, #tpu.memory_space<hbm>> -> memref<1x80x128xi32, #tpu.memory_space<hbm>>
      %dma_wait3A_26 = tpu.memref_squeeze %dma_wait3A_25 : memref<1x80x128xi32, #tpu.memory_space<hbm>> -> memref<80x128xi32, #tpu.memory_space<hbm>>
      tpu.wait_dma2 semaphore(%run_scoped3A : memref<!tpu.dma_semaphore, #tpu.memory_space<semaphore_mem>>) src(%dma_wait3A_26 : memref<80x128xi32, #tpu.memory_space<hbm>>) dst(%arg8 : memref<80x128xi32, #tpu.memory_space<vmem>>)
      tpu.yield
    }) : () -> ()
    %barrier3A = arith.constant 0 : index
    tpu.barrier barrier_id(%barrier3A)
    %scan3A = arith.constant 0 : i32
    %scan3A_3 = arith.constant 0 : i32
    %scan3A_4 = arith.constant 80 : i32
    %scan3A_5 = arith.addi %scan3A_3, %scan3A_4 : i32
    %scan3A_6 = arith.constant 1 : i32
    scf.for %scan3A_13 = %scan3A_3 to %scan3A_5 step %scan3A_6  : i32 {
      %dma_start3A = arith.constant 0 : i32
      %dma_start3A_14 = tpu.memref_slice %arg7[%scan3A_13, %dma_start3A] : memref<80x128xi32, #tpu.memory_space<vmem>> -> memref<1x128xi32, #tpu.memory_space<vmem>>
      %dma_start3A_15 = tpu.memref_squeeze %dma_start3A_14 : memref<1x128xi32, #tpu.memory_space<vmem>> -> memref<128xi32, #tpu.memory_space<vmem>>
      %dma_start3A_16 = arith.constant 0 : i32
      %dma_start3A_17 = arith.constant 0 : i32
      %dma_start3A_18 = tpu.memref_slice %arg2[%dma_start3A_16, %dma_start3A_17] : memref<10000x128xf32, #tpu.memory_space<hbm>> -> memref<10000x128xf32, #tpu.memory_space<hbm>>
      tpu.enqueue_indirect_dma source(%dma_start3A_18 : memref<10000x128xf32, #tpu.memory_space<hbm>>) target(%arg9 : memref<128x128xf32, #tpu.memory_space<vmem>>) offsets(%dma_start3A_15 : memref<128xi32, #tpu.memory_space<vmem>>) semaphore(%arg11 : memref<!tpu.dma_semaphore, #tpu.memory_space<semaphore_mem>>)
      %dma_wait3A = arith.constant 0 : i32
      %dma_wait3A_19 = tpu.memref_slice %arg7[%scan3A_13, %dma_wait3A] : memref<80x128xi32, #tpu.memory_space<vmem>> -> memref<1x128xi32, #tpu.memory_space<vmem>>
      %dma_wait3A_20 = tpu.memref_squeeze %dma_wait3A_19 : memref<1x128xi32, #tpu.memory_space<vmem>> -> memref<128xi32, #tpu.memory_space<vmem>>
      %dma_wait3A_21 = arith.constant 0 : i32
      %dma_wait3A_22 = arith.constant 0 : i32
      %dma_wait3A_23 = tpu.memref_slice %arg2[%dma_wait3A_21, %dma_wait3A_22] : memref<10000x128xf32, #tpu.memory_space<hbm>> -> memref<10000x128xf32, #tpu.memory_space<hbm>>
      tpu.wait_indirect_dma semaphore(%arg11 : memref<!tpu.dma_semaphore, #tpu.memory_space<semaphore_mem>>) src(%dma_wait3A_23 : memref<10000x128xf32, #tpu.memory_space<hbm>>) dst(%arg9 : memref<128x128xf32, #tpu.memory_space<vmem>>)
      "tpu.region"() ({
        %run_scoped3A = tpu.sem_alloc : memref<!tpu.dma_semaphore, #tpu.memory_space<semaphore_mem>>
        %dma_start3A_24 = arith.constant 0 : i32
        %dma_start3A_25 = tpu.memref_slice %arg8[%scan3A_13, %dma_start3A_24] : memref<80x128xi32, #tpu.memory_space<vmem>> -> memref<1x128xi32, #tpu.memory_space<vmem>>
        %dma_start3A_26 = tpu.memref_squeeze %dma_start3A_25 : memref<1x128xi32, #tpu.memory_space<vmem>> -> memref<128xi32, #tpu.memory_space<vmem>>
        %dma_start3A_27 = arith.constant 0 : i32
        %dma_start3A_28 = arith.constant 0 : i32
        %dma_start3A_29 = tpu.memref_slice %arg10[%dma_start3A_27, %dma_start3A_28] : memref<10112x128xf32, #tpu.memory_space<vmem_shared>> -> memref<10112x128xf32, #tpu.memory_space<vmem_shared>>
        tpu.enqueue_indirect_dma source(%arg9 : memref<128x128xf32, #tpu.memory_space<vmem>>) target(%dma_start3A_29 : memref<10112x128xf32, #tpu.memory_space<vmem_shared>>) offsets(%dma_start3A_26 : memref<128xi32, #tpu.memory_space<vmem>>) semaphore(%run_scoped3A : memref<!tpu.dma_semaphore, #tpu.memory_space<semaphore_mem>>) {add = true}
        %dma_wait3A_30 = arith.constant 0 : i32
        %dma_wait3A_31 = tpu.memref_slice %arg8[%scan3A_13, %dma_wait3A_30] : memref<80x128xi32, #tpu.memory_space<vmem>> -> memref<1x128xi32, #tpu.memory_space<vmem>>
        %dma_wait3A_32 = tpu.memref_squeeze %dma_wait3A_31 : memref<1x128xi32, #tpu.memory_space<vmem>> -> memref<128xi32, #tpu.memory_space<vmem>>
        %dma_wait3A_33 = arith.constant 0 : i32
        %dma_wait3A_34 = arith.constant 0 : i32
        %dma_wait3A_35 = tpu.memref_slice %arg10[%dma_wait3A_33, %dma_wait3A_34] : memref<10112x128xf32, #tpu.memory_space<vmem_shared>> -> memref<10112x128xf32, #tpu.memory_space<vmem_shared>>
        tpu.wait_indirect_dma semaphore(%run_scoped3A : memref<!tpu.dma_semaphore, #tpu.memory_space<semaphore_mem>>) src(%arg9 : memref<128x128xf32, #tpu.memory_space<vmem>>) dst(%dma_wait3A_35 : memref<10112x128xf32, #tpu.memory_space<vmem_shared>>)
        tpu.yield
      }) : () -> ()
    }
    %scan3A_7 = arith.constant 80 : i32
    %barrier3A_8 = arith.constant 0 : index
    tpu.barrier barrier_id(%barrier3A_8)
    %mul3A_9 = arith.constant 632 : i32
    %mul3A_10 = arith.muli %arg1, %mul3A_9 : i32
    %mul3A_11 = arith.constant 632 : i32
    %mul3A_12 = arith.muli %arg1, %mul3A_11 : i32
    "tpu.region"() ({
      %run_scoped3A = tpu.sem_alloc : memref<!tpu.dma_semaphore, #tpu.memory_space<semaphore_mem>>
      %dma_start3A = arith.constant 0 : i32
      %dma_start3A_13 = tpu.memref_slice %arg6[%arg0, %mul3A_12, %dma_start3A] : memref<2x10112x128xf32, #tpu.memory_space<hbm>> -> memref<1x632x128xf32, #tpu.memory_space<hbm>>
      %dma_start3A_14 = tpu.memref_squeeze %dma_start3A_13 : memref<1x632x128xf32, #tpu.memory_space<hbm>> -> memref<632x128xf32, #tpu.memory_space<hbm>>
      %dma_start3A_15 = arith.constant 0 : i32
      %dma_start3A_16 = tpu.memref_slice %arg10[%mul3A_10, %dma_start3A_15] : memref<10112x128xf32, #tpu.memory_space<vmem_shared>> -> memref<632x128xf32, #tpu.memory_space<vmem_shared>>
      tpu.enqueue_dma source(%dma_start3A_16 : memref<632x128xf32, #tpu.memory_space<vmem_shared>>) target(%dma_start3A_14 : memref<632x128xf32, #tpu.memory_space<hbm>>) target_semaphore(%run_scoped3A : memref<!tpu.dma_semaphore, #tpu.memory_space<semaphore_mem>>)
      %dma_wait3A = arith.constant 0 : i32
      %dma_wait3A_17 = tpu.memref_slice %arg6[%arg0, %mul3A_12, %dma_wait3A] : memref<2x10112x128xf32, #tpu.memory_space<hbm>> -> memref<1x632x128xf32, #tpu.memory_space<hbm>>
      %dma_wait3A_18 = tpu.memref_squeeze %dma_wait3A_17 : memref<1x632x128xf32, #tpu.memory_space<hbm>> -> memref<632x128xf32, #tpu.memory_space<hbm>>
      %dma_wait3A_19 = arith.constant 0 : i32
      %dma_wait3A_20 = tpu.memref_slice %arg10[%mul3A_10, %dma_wait3A_19] : memref<10112x128xf32, #tpu.memory_space<vmem_shared>> -> memref<632x128xf32, #tpu.memory_space<vmem_shared>>
      tpu.wait_dma2 semaphore(%run_scoped3A : memref<!tpu.dma_semaphore, #tpu.memory_space<semaphore_mem>>) src(%dma_wait3A_20 : memref<632x128xf32, #tpu.memory_space<vmem_shared>>) dst(%dma_wait3A_18 : memref<632x128xf32, #tpu.memory_space<hbm>>)
      tpu.yield
    }) : () -> ()
    return
  }
}

#map = affine_map<(d0, d1) -> (0, 0)>
#map1 = affine_map<(d0, d1) -> (0, 0, 0)>
module attributes {stable_mosaic.version = 14 : i64} {
  func.func @_sc_scatter(%arg0: i32, %arg1: i32, %arg2: memref<10000x128xf32, #tpu.memory_space<hbm>>, %arg3: memref<32x80x128xi32, #tpu.memory_space<hbm>>, %arg4: memref<32x80x128xi32, #tpu.memory_space<hbm>>, %arg5: memref<632x128xf32, #tpu.memory_space<hbm>>, %arg6: memref<2x10112x128xf32, #tpu.memory_space<hbm>>, %arg7: memref<80x128xi32, #tpu.memory_space<vmem>>, %arg8: memref<80x128xi32, #tpu.memory_space<vmem>>, %arg9: memref<128x128xf32, #tpu.memory_space<vmem>>, %arg10: memref<10112x128xf32, #tpu.memory_space<vmem_shared>>, %arg11: memref<!tpu.dma_semaphore, #tpu.memory_space<semaphore_mem>>) attributes {dimension_semantics = [#tpu.dimension_semantics<core_parallel>, #tpu.dimension_semantics<subcore_parallel>], iteration_bounds = array<i64: 2, 16>, scalar_prefetch = 0 : i64, scratch_operands = 5 : i64, tpu.core_type = #tpu.core_type<sc_vector_subcore>, window_params = [{transform_indices = #map}, {transform_indices = #map1}, {transform_indices = #map1}, {transform_indices = #map}, {transform_indices = #map1}]} {
    %mul3A = arith.constant 16 : i32
    %mul3A_0 = arith.muli %arg0, %mul3A : i32
    %add3A = arith.addi %mul3A_0, %arg1 : i32
    %mul3A_1 = arith.constant 632 : i32
    %mul3A_2 = arith.muli %arg1, %mul3A_1 : i32
    "tpu.region"() ({
      %run_scoped3A = tpu.sem_alloc : memref<!tpu.dma_semaphore, #tpu.memory_space<semaphore_mem>>
      %dma_start3A = arith.constant 0 : i32
      %dma_start3A_13 = tpu.memref_slice %arg10[%mul3A_2, %dma_start3A] : memref<10112x128xf32, #tpu.memory_space<vmem_shared>> -> memref<632x128xf32, #tpu.memory_space<vmem_shared>>
      tpu.enqueue_dma source(%arg5 : memref<632x128xf32, #tpu.memory_space<hbm>>) target(%dma_start3A_13 : memref<632x128xf32, #tpu.memory_space<vmem_shared>>) target_semaphore(%run_scoped3A : memref<!tpu.dma_semaphore, #tpu.memory_space<semaphore_mem>>)
      %dma_wait3A = arith.constant 0 : i32
      %dma_wait3A_14 = tpu.memref_slice %arg10[%mul3A_2, %dma_wait3A] : memref<10112x128xf32, #tpu.memory_space<vmem_shared>> -> memref<632x128xf32, #tpu.memory_space<vmem_shared>>
      tpu.wait_dma2 semaphore(%run_scoped3A : memref<!tpu.dma_semaphore, #tpu.memory_space<semaphore_mem>>) src(%arg5 : memref<632x128xf32, #tpu.memory_space<hbm>>) dst(%dma_wait3A_14 : memref<632x128xf32, #tpu.memory_space<vmem_shared>>)
      tpu.yield
    }) : () -> ()
    "tpu.region"() ({
      %run_scoped3A = tpu.sem_alloc : memref<!tpu.dma_semaphore, #tpu.memory_space<semaphore_mem>>
      %dma_start3A = arith.constant 0 : i32
      %dma_start3A_13 = arith.constant 0 : i32
      %dma_start3A_14 = tpu.memref_slice %arg3[%add3A, %dma_start3A, %dma_start3A_13] : memref<32x80x128xi32, #tpu.memory_space<hbm>> -> memref<1x80x128xi32, #tpu.memory_space<hbm>>
      %dma_start3A_15 = tpu.memref_squeeze %dma_start3A_14 : memref<1x80x128xi32, #tpu.memory_space<hbm>> -> memref<80x128xi32, #tpu.memory_space<hbm>>
      %dma_start3A_16 = arith.constant 0 : i32
      %dma_start3A_17 = arith.constant 0 : i32
      %dma_start3A_18 = tpu.memref_slice %arg3[%add3A, %dma_start3A_16, %dma_start3A_17] : memref<32x80x128xi32, #tpu.memory_space<hbm>> -> memref<1x80x128xi32, #tpu.memory_space<hbm>>
      %dma_start3A_19 = tpu.memref_squeeze %dma_start3A_18 : memref<1x80x128xi32, #tpu.memory_space<hbm>> -> memref<80x128xi32, #tpu.memory_space<hbm>>
      tpu.enqueue_dma source(%dma_start3A_19 : memref<80x128xi32, #tpu.memory_space<hbm>>) target(%arg7 : memref<80x128xi32, #tpu.memory_space<vmem>>) target_semaphore(%run_scoped3A : memref<!tpu.dma_semaphore, #tpu.memory_space<semaphore_mem>>)
      %dma_wait3A = arith.constant 0 : i32
      %dma_wait3A_20 = arith.constant 0 : i32
      %dma_wait3A_21 = tpu.memref_slice %arg3[%add3A, %dma_wait3A, %dma_wait3A_20] : memref<32x80x128xi32, #tpu.memory_space<hbm>> -> memref<1x80x128xi32, #tpu.memory_space<hbm>>
      %dma_wait3A_22 = tpu.memref_squeeze %dma_wait3A_21 : memref<1x80x128xi32, #tpu.memory_space<hbm>> -> memref<80x128xi32, #tpu.memory_space<hbm>>
      %dma_wait3A_23 = arith.constant 0 : i32
      %dma_wait3A_24 = arith.constant 0 : i32
      %dma_wait3A_25 = tpu.memref_slice %arg3[%add3A, %dma_wait3A_23, %dma_wait3A_24] : memref<32x80x128xi32, #tpu.memory_space<hbm>> -> memref<1x80x128xi32, #tpu.memory_space<hbm>>
      %dma_wait3A_26 = tpu.memref_squeeze %dma_wait3A_25 : memref<1x80x128xi32, #tpu.memory_space<hbm>> -> memref<80x128xi32, #tpu.memory_space<hbm>>
      tpu.wait_dma2 semaphore(%run_scoped3A : memref<!tpu.dma_semaphore, #tpu.memory_space<semaphore_mem>>) src(%dma_wait3A_26 : memref<80x128xi32, #tpu.memory_space<hbm>>) dst(%arg7 : memref<80x128xi32, #tpu.memory_space<vmem>>)
      tpu.yield
    }) : () -> ()
    "tpu.region"() ({
      %run_scoped3A = tpu.sem_alloc : memref<!tpu.dma_semaphore, #tpu.memory_space<semaphore_mem>>
      %dma_start3A = arith.constant 0 : i32
      %dma_start3A_13 = arith.constant 0 : i32
      %dma_start3A_14 = tpu.memref_slice %arg4[%add3A, %dma_start3A, %dma_start3A_13] : memref<32x80x128xi32, #tpu.memory_space<hbm>> -> memref<1x80x128xi32, #tpu.memory_space<hbm>>
      %dma_start3A_15 = tpu.memref_squeeze %dma_start3A_14 : memref<1x80x128xi32, #tpu.memory_space<hbm>> -> memref<80x128xi32, #tpu.memory_space<hbm>>
      %dma_start3A_16 = arith.constant 0 : i32
      %dma_start3A_17 = arith.constant 0 : i32
      %dma_start3A_18 = tpu.memref_slice %arg4[%add3A, %dma_start3A_16, %dma_start3A_17] : memref<32x80x128xi32, #tpu.memory_space<hbm>> -> memref<1x80x128xi32, #tpu.memory_space<hbm>>
      %dma_start3A_19 = tpu.memref_squeeze %dma_start3A_18 : memref<1x80x128xi32, #tpu.memory_space<hbm>> -> memref<80x128xi32, #tpu.memory_space<hbm>>
      tpu.enqueue_dma source(%dma_start3A_19 : memref<80x128xi32, #tpu.memory_space<hbm>>) target(%arg8 : memref<80x128xi32, #tpu.memory_space<vmem>>) target_semaphore(%run_scoped3A : memref<!tpu.dma_semaphore, #tpu.memory_space<semaphore_mem>>)
      %dma_wait3A = arith.constant 0 : i32
      %dma_wait3A_20 = arith.constant 0 : i32
      %dma_wait3A_21 = tpu.memref_slice %arg4[%add3A, %dma_wait3A, %dma_wait3A_20] : memref<32x80x128xi32, #tpu.memory_space<hbm>> -> memref<1x80x128xi32, #tpu.memory_space<hbm>>
      %dma_wait3A_22 = tpu.memref_squeeze %dma_wait3A_21 : memref<1x80x128xi32, #tpu.memory_space<hbm>> -> memref<80x128xi32, #tpu.memory_space<hbm>>
      %dma_wait3A_23 = arith.constant 0 : i32
      %dma_wait3A_24 = arith.constant 0 : i32
      %dma_wait3A_25 = tpu.memref_slice %arg4[%add3A, %dma_wait3A_23, %dma_wait3A_24] : memref<32x80x128xi32, #tpu.memory_space<hbm>> -> memref<1x80x128xi32, #tpu.memory_space<hbm>>
      %dma_wait3A_26 = tpu.memref_squeeze %dma_wait3A_25 : memref<1x80x128xi32, #tpu.memory_space<hbm>> -> memref<80x128xi32, #tpu.memory_space<hbm>>
      tpu.wait_dma2 semaphore(%run_scoped3A : memref<!tpu.dma_semaphore, #tpu.memory_space<semaphore_mem>>) src(%dma_wait3A_26 : memref<80x128xi32, #tpu.memory_space<hbm>>) dst(%arg8 : memref<80x128xi32, #tpu.memory_space<vmem>>)
      tpu.yield
    }) : () -> ()
    %barrier3A = arith.constant 0 : index
    tpu.barrier barrier_id(%barrier3A)
    %scan3A = arith.constant 0 : i32
    %scan3A_3 = arith.constant 0 : i32
    %scan3A_4 = arith.constant 80 : i32
    %scan3A_5 = arith.addi %scan3A_3, %scan3A_4 : i32
    %scan3A_6 = arith.constant 1 : i32
    scf.for %scan3A_13 = %scan3A_3 to %scan3A_5 step %scan3A_6  : i32 {
      %dma_start3A = arith.constant 0 : i32
      %dma_start3A_14 = tpu.memref_slice %arg7[%scan3A_13, %dma_start3A] : memref<80x128xi32, #tpu.memory_space<vmem>> -> memref<1x128xi32, #tpu.memory_space<vmem>>
      %dma_start3A_15 = tpu.memref_squeeze %dma_start3A_14 : memref<1x128xi32, #tpu.memory_space<vmem>> -> memref<128xi32, #tpu.memory_space<vmem>>
      %dma_start3A_16 = arith.constant 0 : i32
      %dma_start3A_17 = arith.constant 0 : i32
      %dma_start3A_18 = tpu.memref_slice %arg2[%dma_start3A_16, %dma_start3A_17] : memref<10000x128xf32, #tpu.memory_space<hbm>> -> memref<10000x128xf32, #tpu.memory_space<hbm>>
      tpu.enqueue_indirect_dma source(%dma_start3A_18 : memref<10000x128xf32, #tpu.memory_space<hbm>>) target(%arg9 : memref<128x128xf32, #tpu.memory_space<vmem>>) offsets(%dma_start3A_15 : memref<128xi32, #tpu.memory_space<vmem>>) semaphore(%arg11 : memref<!tpu.dma_semaphore, #tpu.memory_space<semaphore_mem>>)
      %dma_wait3A = arith.constant 0 : i32
      %dma_wait3A_19 = tpu.memref_slice %arg7[%scan3A_13, %dma_wait3A] : memref<80x128xi32, #tpu.memory_space<vmem>> -> memref<1x128xi32, #tpu.memory_space<vmem>>
      %dma_wait3A_20 = tpu.memref_squeeze %dma_wait3A_19 : memref<1x128xi32, #tpu.memory_space<vmem>> -> memref<128xi32, #tpu.memory_space<vmem>>
      %dma_wait3A_21 = arith.constant 0 : i32
      %dma_wait3A_22 = arith.constant 0 : i32
      %dma_wait3A_23 = tpu.memref_slice %arg2[%dma_wait3A_21, %dma_wait3A_22] : memref<10000x128xf32, #tpu.memory_space<hbm>> -> memref<10000x128xf32, #tpu.memory_space<hbm>>
      tpu.wait_indirect_dma semaphore(%arg11 : memref<!tpu.dma_semaphore, #tpu.memory_space<semaphore_mem>>) src(%dma_wait3A_23 : memref<10000x128xf32, #tpu.memory_space<hbm>>) dst(%arg9 : memref<128x128xf32, #tpu.memory_space<vmem>>)
      "tpu.region"() ({
        %run_scoped3A = tpu.sem_alloc : memref<!tpu.dma_semaphore, #tpu.memory_space<semaphore_mem>>
        %dma_start3A_24 = arith.constant 0 : i32
        %dma_start3A_25 = tpu.memref_slice %arg8[%scan3A_13, %dma_start3A_24] : memref<80x128xi32, #tpu.memory_space<vmem>> -> memref<1x128xi32, #tpu.memory_space<vmem>>
        %dma_start3A_26 = tpu.memref_squeeze %dma_start3A_25 : memref<1x128xi32, #tpu.memory_space<vmem>> -> memref<128xi32, #tpu.memory_space<vmem>>
        %dma_start3A_27 = arith.constant 0 : i32
        %dma_start3A_28 = arith.constant 0 : i32
        %dma_start3A_29 = tpu.memref_slice %arg10[%dma_start3A_27, %dma_start3A_28] : memref<10112x128xf32, #tpu.memory_space<vmem_shared>> -> memref<10112x128xf32, #tpu.memory_space<vmem_shared>>
        tpu.enqueue_indirect_dma source(%arg9 : memref<128x128xf32, #tpu.memory_space<vmem>>) target(%dma_start3A_29 : memref<10112x128xf32, #tpu.memory_space<vmem_shared>>) offsets(%dma_start3A_26 : memref<128xi32, #tpu.memory_space<vmem>>) semaphore(%run_scoped3A : memref<!tpu.dma_semaphore, #tpu.memory_space<semaphore_mem>>) {add = true}
        %dma_wait3A_30 = arith.constant 0 : i32
        %dma_wait3A_31 = tpu.memref_slice %arg8[%scan3A_13, %dma_wait3A_30] : memref<80x128xi32, #tpu.memory_space<vmem>> -> memref<1x128xi32, #tpu.memory_space<vmem>>
        %dma_wait3A_32 = tpu.memref_squeeze %dma_wait3A_31 : memref<1x128xi32, #tpu.memory_space<vmem>> -> memref<128xi32, #tpu.memory_space<vmem>>
        %dma_wait3A_33 = arith.constant 0 : i32
        %dma_wait3A_34 = arith.constant 0 : i32
        %dma_wait3A_35 = tpu.memref_slice %arg10[%dma_wait3A_33, %dma_wait3A_34] : memref<10112x128xf32, #tpu.memory_space<vmem_shared>> -> memref<10112x128xf32, #tpu.memory_space<vmem_shared>>
        tpu.wait_indirect_dma semaphore(%run_scoped3A : memref<!tpu.dma_semaphore, #tpu.memory_space<semaphore_mem>>) src(%arg9 : memref<128x128xf32, #tpu.memory_space<vmem>>) dst(%dma_wait3A_35 : memref<10112x128xf32, #tpu.memory_space<vmem_shared>>)
        tpu.yield
      }) : () -> ()
    }
    %scan3A_7 = arith.constant 80 : i32
    %barrier3A_8 = arith.constant 0 : index
    tpu.barrier barrier_id(%barrier3A_8)
    %mul3A_9 = arith.constant 632 : i32
    %mul3A_10 = arith.muli %arg1, %mul3A_9 : i32
    %mul3A_11 = arith.constant 632 : i32
    %mul3A_12 = arith.muli %arg1, %mul3A_11 : i32
    "tpu.region"() ({
      %run_scoped3A = tpu.sem_alloc : memref<!tpu.dma_semaphore, #tpu.memory_space<semaphore_mem>>
      %dma_start3A = arith.constant 0 : i32
      %dma_start3A_13 = tpu.memref_slice %arg6[%arg0, %mul3A_12, %dma_start3A] : memref<2x10112x128xf32, #tpu.memory_space<hbm>> -> memref<1x632x128xf32, #tpu.memory_space<hbm>>
      %dma_start3A_14 = tpu.memref_squeeze %dma_start3A_13 : memref<1x632x128xf32, #tpu.memory_space<hbm>> -> memref<632x128xf32, #tpu.memory_space<hbm>>
      %dma_start3A_15 = arith.constant 0 : i32
      %dma_start3A_16 = tpu.memref_slice %arg10[%mul3A_10, %dma_start3A_15] : memref<10112x128xf32, #tpu.memory_space<vmem_shared>> -> memref<632x128xf32, #tpu.memory_space<vmem_shared>>
      tpu.enqueue_dma source(%dma_start3A_16 : memref<632x128xf32, #tpu.memory_space<vmem_shared>>) target(%dma_start3A_14 : memref<632x128xf32, #tpu.memory_space<hbm>>) target_semaphore(%run_scoped3A : memref<!tpu.dma_semaphore, #tpu.memory_space<semaphore_mem>>)
      %dma_wait3A = arith.constant 0 : i32
      %dma_wait3A_17 = tpu.memref_slice %arg6[%arg0, %mul3A_12, %dma_wait3A] : memref<2x10112x128xf32, #tpu.memory_space<hbm>> -> memref<1x632x128xf32, #tpu.memory_space<hbm>>
      %dma_wait3A_18 = tpu.memref_squeeze %dma_wait3A_17 : memref<1x632x128xf32, #tpu.memory_space<hbm>> -> memref<632x128xf32, #tpu.memory_space<hbm>>
      %dma_wait3A_19 = arith.constant 0 : i32
      %dma_wait3A_20 = tpu.memref_slice %arg10[%mul3A_10, %dma_wait3A_19] : memref<10112x128xf32, #tpu.memory_space<vmem_shared>> -> memref<632x128xf32, #tpu.memory_space<vmem_shared>>
      tpu.wait_dma2 semaphore(%run_scoped3A : memref<!tpu.dma_semaphore, #tpu.memory_space<semaphore_mem>>) src(%dma_wait3A_20 : memref<632x128xf32, #tpu.memory_space<vmem_shared>>) dst(%dma_wait3A_18 : memref<632x128xf32, #tpu.memory_space<hbm>>)
      tpu.yield
    }) : () -> ()
    return
  }
}

module attributes {stable_mosaic.version = 14 : i64} {
  func.func @_mlp_body(%arg0: i32, %arg1: memref<1000x128xf32, #tpu.memory_space<vmem>>, %arg2: memref<2x1000x128xf32, #tpu.memory_space<vmem>>, %arg3: memref<128x128xf32, #tpu.memory_space<vmem>>, %arg4: memref<1x128xf32, #tpu.memory_space<vmem>>, %arg5: memref<128x128xf32, #tpu.memory_space<vmem>>, %arg6: memref<1x128xf32, #tpu.memory_space<vmem>>, %arg7: memref<1000x128xf32, #tpu.memory_space<vmem>>) attributes {dimension_semantics = [#tpu.dimension_semantics<arbitrary>], iteration_bounds = array<i64: 10>, scalar_prefetch = 0 : i64, scratch_operands = 0 : i64, tpu.core_type = #tpu.core_type<tc>, window_params = [{transform_indices = @transform_0, window_bounds = array<i64: 1000, 128>}, {transform_indices = @transform_1, window_bounds = array<i64: 2, 1000, 128>}, {pipeline_mode = #tpu.pipeline_mode<synchronous>, transform_indices = @transform_2, window_bounds = array<i64: 128, 128>}, {pipeline_mode = #tpu.pipeline_mode<synchronous>, transform_indices = @transform_3, window_bounds = array<i64: 1, 128>}, {pipeline_mode = #tpu.pipeline_mode<synchronous>, transform_indices = @transform_4, window_bounds = array<i64: 128, 128>}, {pipeline_mode = #tpu.pipeline_mode<synchronous>, transform_indices = @transform_5, window_bounds = array<i64: 1, 128>}, {transform_indices = @transform_6, window_bounds = array<i64: 1000, 128>}]} {
    %get3A = arith.constant 0 : index
    %get3A_0 = arith.constant 0 : index
    %get3A_1 = vector.load %arg1[%get3A, %get3A_0] : memref<1000x128xf32, #tpu.memory_space<vmem>>, vector<1000x128xf32>
    %get3A_2 = arith.constant 0 : index
    %get3A_3 = arith.constant 0 : index
    %get3A_4 = arith.constant 0 : index
    %get3A_5 = vector.load %arg2[%get3A_2, %get3A_3, %get3A_4] : memref<2x1000x128xf32, #tpu.memory_space<vmem>>, vector<1x1000x128xf32>
    %get3A_6 = vector.shape_cast %get3A_5 : vector<1x1000x128xf32> to vector<1000x128xf32>
    %add3A = arith.addf %get3A_1, %get3A_6 : vector<1000x128xf32>
    %get3A_7 = arith.constant 1 : index
    %get3A_8 = arith.constant 0 : index
    %get3A_9 = arith.constant 0 : index
    %get3A_10 = vector.load %arg2[%get3A_7, %get3A_8, %get3A_9] : memref<2x1000x128xf32, #tpu.memory_space<vmem>>, vector<1x1000x128xf32>
    %get3A_11 = vector.shape_cast %get3A_10 : vector<1x1000x128xf32> to vector<1000x128xf32>
    %add3A_12 = arith.addf %add3A, %get3A_11 : vector<1000x128xf32>
    %get3A_13 = arith.constant 0 : index
    %get3A_14 = arith.constant 0 : index
    %get3A_15 = vector.load %arg3[%get3A_13, %get3A_14] : memref<128x128xf32, #tpu.memory_space<vmem>>, vector<128x128xf32>
    %dot_general3A = arith.constant dense<0.000000e+00> : vector<1000x128xf32>
    %dot_general3A_16 = tpu.matmul %add3A_12, %get3A_15, %dot_general3A {dimension_numbers = #tpu.dot_dimension_numbers<[1], [0], [0], [1], [0, 0, 1, 1], [], []>, transpose_lhs_hint = false} : vector<1000x128xf32>, vector<128x128xf32>, vector<1000x128xf32> -> vector<1000x128xf32>
    %get3A_17 = arith.constant 0 : index
    %get3A_18 = arith.constant 0 : index
    %get3A_19 = vector.load %arg4[%get3A_17, %get3A_18] : memref<1x128xf32, #tpu.memory_space<vmem>>, vector<1x128xf32>
    %add3A_20 = vector.broadcast %get3A_19 : vector<1x128xf32> to vector<1000x128xf32>
    %add3A_21 = arith.addf %dot_general3A_16, %add3A_20 : vector<1000x128xf32>
    %ge3A = arith.constant 0.000000e+00 : f32
    %ge3A_22 = vector.broadcast %ge3A : f32 to vector<1000x128xf32>
    %ge3A_23 = arith.cmpf oge, %add3A_21, %ge3A_22 : vector<1000x128xf32>
    %mul3A = arith.constant 2.000000e-01 : f32
    %mul3A_24 = vector.broadcast %mul3A : f32 to vector<1000x128xf32>
    %mul3A_25 = arith.mulf %mul3A_24, %add3A_21 : vector<1000x128xf32>
    %select_n3A = arith.select %ge3A_23, %add3A_21, %mul3A_25 : vector<1000x128xi1>, vector<1000x128xf32>
    %get3A_26 = arith.constant 0 : index
    %get3A_27 = arith.constant 0 : index
    %get3A_28 = vector.load %arg5[%get3A_26, %get3A_27] : memref<128x128xf32, #tpu.memory_space<vmem>>, vector<128x128xf32>
    %dot_general3A_29 = arith.constant dense<0.000000e+00> : vector<1000x128xf32>
    %dot_general3A_30 = tpu.matmul %select_n3A, %get3A_28, %dot_general3A_29 {dimension_numbers = #tpu.dot_dimension_numbers<[1], [0], [0], [1], [0, 0, 1, 1], [], []>, transpose_lhs_hint = false} : vector<1000x128xf32>, vector<128x128xf32>, vector<1000x128xf32> -> vector<1000x128xf32>
    %get3A_31 = arith.constant 0 : index
    %get3A_32 = arith.constant 0 : index
    %get3A_33 = vector.load %arg6[%get3A_31, %get3A_32] : memref<1x128xf32, #tpu.memory_space<vmem>>, vector<1x128xf32>
    %add3A_34 = vector.broadcast %get3A_33 : vector<1x128xf32> to vector<1000x128xf32>
    %add3A_35 = arith.addf %dot_general3A_30, %add3A_34 : vector<1000x128xf32>
    %ge3A_36 = arith.constant 0.000000e+00 : f32
    %ge3A_37 = vector.broadcast %ge3A_36 : f32 to vector<1000x128xf32>
    %ge3A_38 = arith.cmpf oge, %add3A_35, %ge3A_37 : vector<1000x128xf32>
    %mul3A_39 = arith.constant 2.000000e-01 : f32
    %mul3A_40 = vector.broadcast %mul3A_39 : f32 to vector<1000x128xf32>
    %mul3A_41 = arith.mulf %mul3A_40, %add3A_35 : vector<1000x128xf32>
    %select_n3A_42 = arith.select %ge3A_38, %add3A_35, %mul3A_41 : vector<1000x128xi1>, vector<1000x128xf32>
    %swap3A = arith.constant 0 : index
    %swap3A_43 = arith.constant 0 : index
    %swap3A_44 = vector.load %arg7[%swap3A, %swap3A_43] : memref<1000x128xf32, #tpu.memory_space<vmem>>, vector<1000x128xf32>
    tpu.vector_store %arg7[%swap3A, %swap3A_43], %select_n3A_42 {strides = array<i32>} : memref<1000x128xf32, #tpu.memory_space<vmem>>, vector<1000x128xf32>,
    return
  }
  func.func @transform_0(%arg0: i32) -> (i32, i32) {
    %c0_i32 = arith.constant 0 : i32
    %c0_i32_0 = arith.constant 0 : i32
    return %arg0, %c0_i32 : i32, i32
  }
  func.func @transform_1(%arg0: i32) -> (i32, i32, i32) {
    %c0_i32 = arith.constant 0 : i32
    %c0_i32_0 = arith.constant 0 : i32
    %c0_i32_1 = arith.constant 0 : i32
    return %c0_i32, %arg0, %c0_i32_0 : i32, i32, i32
  }
  func.func @transform_2(%arg0: i32) -> (i32, i32) {
    %c0_i32 = arith.constant 0 : i32
    %c0_i32_0 = arith.constant 0 : i32
    %c0_i32_1 = arith.constant 0 : i32
    return %c0_i32, %c0_i32_0 : i32, i32
  }
  func.func @transform_3(%arg0: i32) -> (i32, i32) {
    %c0_i32 = arith.constant 0 : i32
    %c0_i32_0 = arith.constant 0 : i32
    %c0_i32_1 = arith.constant 0 : i32
    return %c0_i32, %c0_i32_0 : i32, i32
  }
  func.func @transform_4(%arg0: i32) -> (i32, i32) {
    %c0_i32 = arith.constant 0 : i32
    %c0_i32_0 = arith.constant 0 : i32
    %c0_i32_1 = arith.constant 0 : i32
    return %c0_i32, %c0_i32_0 : i32, i32
  }
  func.func @transform_5(%arg0: i32) -> (i32, i32) {
    %c0_i32 = arith.constant 0 : i32
    %c0_i32_0 = arith.constant 0 : i32
    %c0_i32_1 = arith.constant 0 : i32
    return %c0_i32, %c0_i32_0 : i32, i32
  }
  func.func @transform_6(%arg0: i32) -> (i32, i32) {
    %c0_i32 = arith.constant 0 : i32
    %c0_i32_0 = arith.constant 0 : i32
    return %arg0, %c0_i32 : i32, i32
  }
}

module attributes {stable_mosaic.version = 14 : i64} {
  func.func @_final_body(%arg0: i32, %arg1: memref<1000x128xf32, #tpu.memory_space<vmem>>, %arg2: memref<2x1000x128xf32, #tpu.memory_space<vmem>>, %arg3: memref<128x128xf32, #tpu.memory_space<vmem>>, %arg4: memref<1x128xf32, #tpu.memory_space<vmem>>, %arg5: memref<128x128xf32, #tpu.memory_space<vmem>>, %arg6: memref<1x128xf32, #tpu.memory_space<vmem>>, %arg7: memref<1x128xf32, #tpu.memory_space<vmem>>, %arg8: memref<1x128xf32, #tpu.memory_space<vmem>>, %arg9: memref<1x1x1000xi32, #tpu.memory_space<vmem>>, %arg10: memref<1x128xf32, #tpu.memory_space<vmem>>, %arg11: memref<1x128xf32, #tpu.memory_space<vmem>>, %arg12: memref<1x128xf32, #tpu.memory_space<vmem>>, %arg13: memref<1x128xf32, #tpu.memory_space<vmem>>, %arg14: memref<1000x128xf32, #tpu.memory_space<vmem>>, %arg15: memref<64x128xf32, #tpu.memory_space<vmem>>, %arg16: memref<64x128xf32, #tpu.memory_space<vmem>>) attributes {dimension_semantics = [#tpu.dimension_semantics<arbitrary>], iteration_bounds = array<i64: 10>, scalar_prefetch = 0 : i64, scratch_operands = 1 : i64, tpu.core_type = #tpu.core_type<tc>, window_params = [{transform_indices = @transform_0, window_bounds = array<i64: 1000, 128>}, {transform_indices = @transform_1, window_bounds = array<i64: 2, 1000, 128>}, {pipeline_mode = #tpu.pipeline_mode<synchronous>, transform_indices = @transform_2, window_bounds = array<i64: 128, 128>}, {pipeline_mode = #tpu.pipeline_mode<synchronous>, transform_indices = @transform_3, window_bounds = array<i64: 1, 128>}, {pipeline_mode = #tpu.pipeline_mode<synchronous>, transform_indices = @transform_4, window_bounds = array<i64: 128, 128>}, {pipeline_mode = #tpu.pipeline_mode<synchronous>, transform_indices = @transform_5, window_bounds = array<i64: 1, 128>}, {pipeline_mode = #tpu.pipeline_mode<synchronous>, transform_indices = @transform_6, window_bounds = array<i64: 1, 128>}, {pipeline_mode = #tpu.pipeline_mode<synchronous>, transform_indices = @transform_7, window_bounds = array<i64: 1, 128>}, {transform_indices = @transform_8, window_bounds = array<i64: 1, 1, 1000>}, {pipeline_mode = #tpu.pipeline_mode<synchronous>, transform_indices = @transform_9, window_bounds = array<i64: 1, 128>}, {pipeline_mode = #tpu.pipeline_mode<synchronous>, transform_indices = @transform_10, window_bounds = array<i64: 1, 128>}, {pipeline_mode = #tpu.pipeline_mode<synchronous>, transform_indices = @transform_11, window_bounds = array<i64: 1, 128>}, {pipeline_mode = #tpu.pipeline_mode<synchronous>, transform_indices = @transform_12, window_bounds = array<i64: 1, 128>}, {transform_indices = @transform_13, window_bounds = array<i64: 1000, 128>}, {pipeline_mode = #tpu.pipeline_mode<synchronous>, transform_indices = @transform_14, window_bounds = array<i64: 64, 128>}]} {
    %get3A = arith.constant 0 : index
    %get3A_0 = arith.constant 0 : index
    %get3A_1 = vector.load %arg1[%get3A, %get3A_0] : memref<1000x128xf32, #tpu.memory_space<vmem>>, vector<1000x128xf32>
    %get3A_2 = arith.constant 0 : index
    %get3A_3 = arith.constant 0 : index
    %get3A_4 = arith.constant 0 : index
    %get3A_5 = vector.load %arg2[%get3A_2, %get3A_3, %get3A_4] : memref<2x1000x128xf32, #tpu.memory_space<vmem>>, vector<1x1000x128xf32>
    %get3A_6 = vector.shape_cast %get3A_5 : vector<1x1000x128xf32> to vector<1000x128xf32>
    %add3A = arith.addf %get3A_1, %get3A_6 : vector<1000x128xf32>
    %get3A_7 = arith.constant 1 : index
    %get3A_8 = arith.constant 0 : index
    %get3A_9 = arith.constant 0 : index
    %get3A_10 = vector.load %arg2[%get3A_7, %get3A_8, %get3A_9] : memref<2x1000x128xf32, #tpu.memory_space<vmem>>, vector<1x1000x128xf32>
    %get3A_11 = vector.shape_cast %get3A_10 : vector<1x1000x128xf32> to vector<1000x128xf32>
    %add3A_12 = arith.addf %add3A, %get3A_11 : vector<1000x128xf32>
    %get3A_13 = arith.constant 0 : index
    %get3A_14 = arith.constant 0 : index
    %get3A_15 = vector.load %arg3[%get3A_13, %get3A_14] : memref<128x128xf32, #tpu.memory_space<vmem>>, vector<128x128xf32>
    %dot_general3A = arith.constant dense<0.000000e+00> : vector<1000x128xf32>
    %dot_general3A_16 = tpu.matmul %add3A_12, %get3A_15, %dot_general3A {dimension_numbers = #tpu.dot_dimension_numbers<[1], [0], [0], [1], [0, 0, 1, 1], [], []>, transpose_lhs_hint = false} : vector<1000x128xf32>, vector<128x128xf32>, vector<1000x128xf32> -> vector<1000x128xf32>
    %get3A_17 = arith.constant 0 : index
    %get3A_18 = arith.constant 0 : index
    %get3A_19 = vector.load %arg4[%get3A_17, %get3A_18] : memref<1x128xf32, #tpu.memory_space<vmem>>, vector<1x128xf32>
    %add3A_20 = vector.broadcast %get3A_19 : vector<1x128xf32> to vector<1000x128xf32>
    %add3A_21 = arith.addf %dot_general3A_16, %add3A_20 : vector<1000x128xf32>
    %ge3A = arith.constant 0.000000e+00 : f32
    %ge3A_22 = vector.broadcast %ge3A : f32 to vector<1000x128xf32>
    %ge3A_23 = arith.cmpf oge, %add3A_21, %ge3A_22 : vector<1000x128xf32>
    %mul3A = arith.constant 2.000000e-01 : f32
    %mul3A_24 = vector.broadcast %mul3A : f32 to vector<1000x128xf32>
    %mul3A_25 = arith.mulf %mul3A_24, %add3A_21 : vector<1000x128xf32>
    %select_n3A = arith.select %ge3A_23, %add3A_21, %mul3A_25 : vector<1000x128xi1>, vector<1000x128xf32>
    %get3A_26 = arith.constant 0 : index
    %get3A_27 = arith.constant 0 : index
    %get3A_28 = vector.load %arg5[%get3A_26, %get3A_27] : memref<128x128xf32, #tpu.memory_space<vmem>>, vector<128x128xf32>
    %dot_general3A_29 = arith.constant dense<0.000000e+00> : vector<1000x128xf32>
    %dot_general3A_30 = tpu.matmul %select_n3A, %get3A_28, %dot_general3A_29 {dimension_numbers = #tpu.dot_dimension_numbers<[1], [0], [0], [1], [0, 0, 1, 1], [], []>, transpose_lhs_hint = false} : vector<1000x128xf32>, vector<128x128xf32>, vector<1000x128xf32> -> vector<1000x128xf32>
    %get3A_31 = arith.constant 0 : index
    %get3A_32 = arith.constant 0 : index
    %get3A_33 = vector.load %arg6[%get3A_31, %get3A_32] : memref<1x128xf32, #tpu.memory_space<vmem>>, vector<1x128xf32>
    %add3A_34 = vector.broadcast %get3A_33 : vector<1x128xf32> to vector<1000x128xf32>
    %add3A_35 = arith.addf %dot_general3A_30, %add3A_34 : vector<1000x128xf32>
    %ge3A_36 = arith.constant 0.000000e+00 : f32
    %ge3A_37 = vector.broadcast %ge3A_36 : f32 to vector<1000x128xf32>
    %ge3A_38 = arith.cmpf oge, %add3A_35, %ge3A_37 : vector<1000x128xf32>
    %mul3A_39 = arith.constant 2.000000e-01 : f32
    %mul3A_40 = vector.broadcast %mul3A_39 : f32 to vector<1000x128xf32>
    %mul3A_41 = arith.mulf %mul3A_40, %add3A_35 : vector<1000x128xf32>
    %select_n3A_42 = arith.select %ge3A_38, %add3A_35, %mul3A_41 : vector<1000x128xi1>, vector<1000x128xf32>
    %reduce_sum3A = arith.constant dense<0.000000e+00> : vector<1000xf32>
    %reduce_sum3A_43 = vector.multi_reduction <add>, %select_n3A_42, %reduce_sum3A [1] : vector<1000x128xf32> to vector<1000xf32>
    %broadcast_in_dim3A = vector.shape_cast %reduce_sum3A_43 : vector<1000xf32> to vector<1000x1xf32>
    %div3A = arith.constant 1.280000e+02 : f32
    %div3A_44 = vector.broadcast %div3A : f32 to vector<1000x1xf32>
    %div3A_45 = arith.divf %broadcast_in_dim3A, %div3A_44 : vector<1000x1xf32>
    %sub3A = vector.broadcast %div3A_45 : vector<1000x1xf32> to vector<1000x128xf32>
    %sub3A_46 = arith.subf %select_n3A_42, %sub3A : vector<1000x128xf32>
    %integer_pow3A = arith.mulf %sub3A_46, %sub3A_46 : vector<1000x128xf32>
    %reduce_sum3A_47 = arith.constant dense<0.000000e+00> : vector<1000xf32>
    %reduce_sum3A_48 = vector.multi_reduction <add>, %integer_pow3A, %reduce_sum3A_47 [1] : vector<1000x128xf32> to vector<1000xf32>
    %broadcast_in_dim3A_49 = vector.shape_cast %reduce_sum3A_48 : vector<1000xf32> to vector<1000x1xf32>
    %div3A_50 = arith.constant 1.280000e+02 : f32
    %div3A_51 = vector.broadcast %div3A_50 : f32 to vector<1000x1xf32>
    %div3A_52 = arith.divf %broadcast_in_dim3A_49, %div3A_51 : vector<1000x1xf32>
    %sub3A_53 = vector.broadcast %div3A_45 : vector<1000x1xf32> to vector<1000x128xf32>
    %sub3A_54 = arith.subf %select_n3A_42, %sub3A_53 : vector<1000x128xf32>
    %add3A_55 = arith.constant 9.99999974E-6 : f32
    %add3A_56 = vector.broadcast %add3A_55 : f32 to vector<1000x1xf32>
    %add3A_57 = arith.addf %div3A_52, %add3A_56 : vector<1000x1xf32>
    %rsqrt3A = math.rsqrt %add3A_57 : vector<1000x1xf32>
    %mul3A_58 = vector.broadcast %rsqrt3A : vector<1000x1xf32> to vector<1000x128xf32>
    %mul3A_59 = arith.mulf %sub3A_54, %mul3A_58 : vector<1000x128xf32>
    %get3A_60 = arith.constant 0 : index
    %get3A_61 = arith.constant 0 : index
    %get3A_62 = vector.load %arg7[%get3A_60, %get3A_61] : memref<1x128xf32, #tpu.memory_space<vmem>>, vector<1x128xf32>
    %mul3A_63 = vector.broadcast %get3A_62 : vector<1x128xf32> to vector<1000x128xf32>
    %mul3A_64 = arith.mulf %mul3A_59, %mul3A_63 : vector<1000x128xf32>
    %get3A_65 = arith.constant 0 : index
    %get3A_66 = arith.constant 0 : index
    %get3A_67 = vector.load %arg8[%get3A_65, %get3A_66] : memref<1x128xf32, #tpu.memory_space<vmem>>, vector<1x128xf32>
    %add3A_68 = vector.broadcast %get3A_67 : vector<1x128xf32> to vector<1000x128xf32>
    %add3A_69 = arith.addf %mul3A_64, %add3A_68 : vector<1000x128xf32>
    %swap3A = arith.constant 0 : index
    %swap3A_70 = arith.constant 0 : index
    %swap3A_71 = vector.load %arg14[%swap3A, %swap3A_70] : memref<1000x128xf32, #tpu.memory_space<vmem>>, vector<1000x128xf32>
    tpu.vector_store %arg14[%swap3A, %swap3A_70], %add3A_69 {strides = array<i32>} : memref<1000x128xf32, #tpu.memory_space<vmem>>, vector<1000x128xf32>,
    %get3A_72 = arith.constant 0 : index
    %get3A_73 = arith.constant 0 : index
    %get3A_74 = arith.constant 0 : index
    %get3A_75 = vector.load %arg9[%get3A_72, %get3A_73, %get3A_74] : memref<1x1x1000xi32, #tpu.memory_space<vmem>>, vector<1x1x1000xi32>
    %get3A_76 = vector.shape_cast %get3A_75 : vector<1x1x1000xi32> to vector<1x1000xi32>
    %iota3A = tpu.iota {dimensions = array<i32: 0>} : vector<64x1000xi32>
    %eq3A = vector.broadcast %get3A_76 : vector<1x1000xi32> to vector<64x1000xi32>
    %eq3A_77 = arith.cmpi eq, %iota3A, %eq3A : vector<64x1000xi32>
    %convert_element_type3A = arith.extui %eq3A_77 : vector<64x1000xi1> to vector<64x1000xi32>
    %convert_element_type3A_78 = arith.sitofp %convert_element_type3A : vector<64x1000xi32> to vector<64x1000xf32>
    %dot_general3A_79 = arith.constant dense<0.000000e+00> : vector<64x128xf32>
    %dot_general3A_80 = tpu.matmul %convert_element_type3A_78, %add3A_69, %dot_general3A_79 {dimension_numbers = #tpu.dot_dimension_numbers<[1], [0], [0], [1], [0, 0, 1, 1], [], []>, transpose_lhs_hint = false} : vector<64x1000xf32>, vector<1000x128xf32>, vector<64x128xf32> -> vector<64x128xf32>
    %eq3A_81 = arith.constant 0 : i32
    %eq3A_82 = arith.cmpi eq, %arg0, %eq3A_81 : i32
    %convert_element_type3A_83 = arith.extui %eq3A_82 : i1 to i32
    %cond3A = arith.constant 0 : i32
    %cond3A_84 = arith.cmpi ne, %convert_element_type3A_83, %cond3A : i32
    scf.if %cond3A_84 {
      %broadcast_in_dim3A_97 = arith.constant 0.000000e+00 : f32
      %broadcast_in_dim3A_98 = vector.broadcast %broadcast_in_dim3A_97 : f32 to vector<64x128xf32>
      %swap3A_99 = arith.constant 0 : index
      %swap3A_100 = arith.constant 0 : index
      %swap3A_101 = vector.load %arg16[%swap3A_99, %swap3A_100] : memref<64x128xf32, #tpu.memory_space<vmem>>, vector<64x128xf32>
      tpu.vector_store %arg16[%swap3A_99, %swap3A_100], %broadcast_in_dim3A_98 {strides = array<i32>} : memref<64x128xf32, #tpu.memory_space<vmem>>, vector<64x128xf32>,
    } else {
    }
    %get3A_85 = arith.constant 0 : index
    %get3A_86 = arith.constant 0 : index
    %get3A_87 = vector.load %arg16[%get3A_85, %get3A_86] : memref<64x128xf32, #tpu.memory_space<vmem>>, vector<64x128xf32>
    %add3A_88 = arith.addf %get3A_87, %dot_general3A_80 : vector<64x128xf32>
    %swap3A_89 = arith.constant 0 : index
    %swap3A_90 = arith.constant 0 : index
    %swap3A_91 = vector.load %arg16[%swap3A_89, %swap3A_90] : memref<64x128xf32, #tpu.memory_space<vmem>>, vector<64x128xf32>
    tpu.vector_store %arg16[%swap3A_89, %swap3A_90], %add3A_88 {strides = array<i32>} : memref<64x128xf32, #tpu.memory_space<vmem>>, vector<64x128xf32>,
    %eq3A_92 = arith.constant 9 : i32
    %eq3A_93 = arith.cmpi eq, %arg0, %eq3A_92 : i32
    %convert_element_type3A_94 = arith.extui %eq3A_93 : i1 to i32
    %cond3A_95 = arith.constant 0 : i32
    %cond3A_96 = arith.cmpi ne, %convert_element_type3A_94, %cond3A_95 : i32
    scf.if %cond3A_96 {
      %get3A_97 = arith.constant 0 : index
      %get3A_98 = arith.constant 0 : index
      %get3A_99 = vector.load %arg13[%get3A_97, %get3A_98] : memref<1x128xf32, #tpu.memory_space<vmem>>, vector<1x128xf32>
      %add3A_100 = arith.constant 9.99999974E-6 : f32
      %add3A_101 = vector.broadcast %add3A_100 : f32 to vector<1x128xf32>
      %add3A_102 = arith.addf %get3A_99, %add3A_101 : vector<1x128xf32>
      %rsqrt3A_103 = math.rsqrt %add3A_102 : vector<1x128xf32>
      %get3A_104 = arith.constant 0 : index
      %get3A_105 = arith.constant 0 : index
      %get3A_106 = vector.load %arg16[%get3A_104, %get3A_105] : memref<64x128xf32, #tpu.memory_space<vmem>>, vector<64x128xf32>
      %get3A_107 = arith.constant 0 : index
      %get3A_108 = arith.constant 0 : index
      %get3A_109 = vector.load %arg12[%get3A_107, %get3A_108] : memref<1x128xf32, #tpu.memory_space<vmem>>, vector<1x128xf32>
      %sub3A_110 = vector.broadcast %get3A_109 : vector<1x128xf32> to vector<64x128xf32>
      %sub3A_111 = arith.subf %get3A_106, %sub3A_110 : vector<64x128xf32>
      %mul3A_112 = vector.broadcast %rsqrt3A_103 : vector<1x128xf32> to vector<64x128xf32>
      %mul3A_113 = arith.mulf %sub3A_111, %mul3A_112 : vector<64x128xf32>
      %get3A_114 = arith.constant 0 : index
      %get3A_115 = arith.constant 0 : index
      %get3A_116 = vector.load %arg10[%get3A_114, %get3A_115] : memref<1x128xf32, #tpu.memory_space<vmem>>, vector<1x128xf32>
      %mul3A_117 = vector.broadcast %get3A_116 : vector<1x128xf32> to vector<64x128xf32>
      %mul3A_118 = arith.mulf %mul3A_113, %mul3A_117 : vector<64x128xf32>
      %get3A_119 = arith.constant 0 : index
      %get3A_120 = arith.constant 0 : index
      %get3A_121 = vector.load %arg11[%get3A_119, %get3A_120] : memref<1x128xf32, #tpu.memory_space<vmem>>, vector<1x128xf32>
      %add3A_122 = vector.broadcast %get3A_121 : vector<1x128xf32> to vector<64x128xf32>
      %add3A_123 = arith.addf %mul3A_118, %add3A_122 : vector<64x128xf32>
      %swap3A_124 = arith.constant 0 : index
      %swap3A_125 = arith.constant 0 : index
      %swap3A_126 = vector.load %arg15[%swap3A_124, %swap3A_125] : memref<64x128xf32, #tpu.memory_space<vmem>>, vector<64x128xf32>
      tpu.vector_store %arg15[%swap3A_124, %swap3A_125], %add3A_123 {strides = array<i32>} : memref<64x128xf32, #tpu.memory_space<vmem>>, vector<64x128xf32>,
    } else {
    }
    return
  }
  func.func @transform_0(%arg0: i32) -> (i32, i32) {
    %c0_i32 = arith.constant 0 : i32
    %c0_i32_0 = arith.constant 0 : i32
    return %arg0, %c0_i32 : i32, i32
  }
  func.func @transform_1(%arg0: i32) -> (i32, i32, i32) {
    %c0_i32 = arith.constant 0 : i32
    %c0_i32_0 = arith.constant 0 : i32
    %c0_i32_1 = arith.constant 0 : i32
    return %c0_i32, %arg0, %c0_i32_0 : i32, i32, i32
  }
  func.func @transform_2(%arg0: i32) -> (i32, i32) {
    %c0_i32 = arith.constant 0 : i32
    %c0_i32_0 = arith.constant 0 : i32
    %c0_i32_1 = arith.constant 0 : i32
    return %c0_i32, %c0_i32_0 : i32, i32
  }
  func.func @transform_3(%arg0: i32) -> (i32, i32) {
    %c0_i32 = arith.constant 0 : i32
    %c0_i32_0 = arith.constant 0 : i32
    %c0_i32_1 = arith.constant 0 : i32
    return %c0_i32, %c0_i32_0 : i32, i32
  }
  func.func @transform_4(%arg0: i32) -> (i32, i32) {
    %c0_i32 = arith.constant 0 : i32
    %c0_i32_0 = arith.constant 0 : i32
    %c0_i32_1 = arith.constant 0 : i32
    return %c0_i32, %c0_i32_0 : i32, i32
  }
  func.func @transform_5(%arg0: i32) -> (i32, i32) {
    %c0_i32 = arith.constant 0 : i32
    %c0_i32_0 = arith.constant 0 : i32
    %c0_i32_1 = arith.constant 0 : i32
    return %c0_i32, %c0_i32_0 : i32, i32
  }
  func.func @transform_6(%arg0: i32) -> (i32, i32) {
    %c0_i32 = arith.constant 0 : i32
    %c0_i32_0 = arith.constant 0 : i32
    %c0_i32_1 = arith.constant 0 : i32
    return %c0_i32, %c0_i32_0 : i32, i32
  }
  func.func @transform_7(%arg0: i32) -> (i32, i32) {
    %c0_i32 = arith.constant 0 : i32
    %c0_i32_0 = arith.constant 0 : i32
    %c0_i32_1 = arith.constant 0 : i32
    return %c0_i32, %c0_i32_0 : i32, i32
  }
  func.func @transform_8(%arg0: i32) -> (i32, i32, i32) {
    %c0_i32 = arith.constant 0 : i32
    %c0_i32_0 = arith.constant 0 : i32
    %c0_i32_1 = arith.constant 0 : i32
    return %arg0, %c0_i32, %c0_i32_0 : i32, i32, i32
  }
  func.func @transform_9(%arg0: i32) -> (i32, i32) {
    %c0_i32 = arith.constant 0 : i32
    %c0_i32_0 = arith.constant 0 : i32
    %c0_i32_1 = arith.constant 0 : i32
    return %c0_i32, %c0_i32_0 : i32, i32
  }
  func.func @transform_10(%arg0: i32) -> (i32, i32) {
    %c0_i32 = arith.constant 0 : i32
    %c0_i32_0 = arith.constant 0 : i32
    %c0_i32_1 = arith.constant 0 : i32
    return %c0_i32, %c0_i32_0 : i32, i32
  }
  func.func @transform_11(%arg0: i32) -> (i32, i32) {
    %c0_i32 = arith.constant 0 : i32
    %c0_i32_0 = arith.constant 0 : i32
    %c0_i32_1 = arith.constant 0 : i32
    return %c0_i32, %c0_i32_0 : i32, i32
  }
  func.func @transform_12(%arg0: i32) -> (i32, i32) {
    %c0_i32 = arith.constant 0 : i32
    %c0_i32_0 = arith.constant 0 : i32
    %c0_i32_1 = arith.constant 0 : i32
    return %c0_i32, %c0_i32_0 : i32, i32
  }
  func.func @transform_13(%arg0: i32) -> (i32, i32) {
    %c0_i32 = arith.constant 0 : i32
    %c0_i32_0 = arith.constant 0 : i32
    return %arg0, %c0_i32 : i32, i32
  }
  func.func @transform_14(%arg0: i32) -> (i32, i32) {
    %c0_i32 = arith.constant 0 : i32
    %c0_i32_0 = arith.constant 0 : i32
    %c0_i32_1 = arith.constant 0 : i32
    return %c0_i32, %c0_i32_0 : i32, i32
  }
}

</mosaic_0001>

<sc_bundles>
// kernel: kernel.11.cloned.1.call-start
scs
__scs_entry_jumppad:
0x0: {  	(pc) =	sbr.rel $0x88, $3  }
0x1: {  	(tag) =	ssettag $0x0;
	lr =	simm.s32 $0x1  }
0x2: {  	[smem:$0x3F8C] =	sst lr;
	_ =	strace $0xD0000000  }
0x3: {  	_ = 	snop  }
0x4: {  	_ = 	snop  }
0x5: {  	_ = 	snop  }
0x6: {  	_ = 	snop  }
0x7: {  	_ = 	snop  }
__scs_overlays_trampoline_lowered:
0x8: {  	[smem:$0x3F9B] =	sst s0  }
0x9: {  	[smem:$0x3F9C] =	sst s1  }
0xa: {  	[smem:$0x3F9D] =	sst s2  }
0xb: {  	[smem:$0x3F9E] =	sst s3  }
0xc: {  	[smem:$0x3F9F] =	sst s4  }
0xd: {  	[smem:$0x3FA0] =	sst s5  }
0xe: {  	[smem:$0x3FA1] =	sst s6  }
0xf: {  	[smem:$0x3FA2] =	sst s7  }
0x10: {  	[smem:$0x3FA3] =	sst s8  }
0x11: {  	[smem:$0x3FA4] =	sst s9;
	s0 =	simm.s32 @!p0 $0x0  }
0x12: {  	s1 =	sld [smem:$0x3F8A];
	s0 =	simm.s32 @p0 $0x1  }
0x13: {  	[smem:$0x3FA5] =	sst s0;
	s0 =	simm.s32 @!p1 $0x0  }
0x14: {  	s2 =	sld [smem:$0x3F89];
	s0 =	simm.s32 @p1 $0x1  }
0x15: {  	[smem:$0x3FA6] =	sst s0;
	s0 =	simm.s32 @!p2 $0x0  }
0x16: {  	s3 =	sld [smem:$0x3FDB];
	s0 =	simm.s32 @p2 $0x1  }
0x17: {  	s4 =	simm.s32 $0x1BF5;
	[smem:$0x3FA8] =	sst s0  }
0x18: {  	s0 =	sld [smem:$0x3F8B];
	_ =	swait.ge [sflag:s4], $0x0  }
0x19: {  	s7 =	sld [smem:$0x3F8C]  }
0x1a: {  	s8 =	sadd.s32 $0xFFFFE003, lr  }
0x1b: {  	s9 =	sadd.s32 $0xFFFFFEF7, lr;
	s5 =	simm.s32 $0xFFFFFFFF;
	p2 =	slt.u32 s8, $0xFFFFF086  }
0x1c: {  	p1 =	slt.u32 s9, $0xF7A;
	s5 =	simm.s32 @!p2 $0x0  }
0x1d: {  	s5 =	simm.s32 @p1 $0x1;
	p0 =	seq.s32 s7, s2  }
0x1e: {  	s7 =	smul.u32 @!p0 $0xF7A, s2;
	p2 =	seq.s32 @!p0 s5, $0x0  }
0x1f: {  	s9 =	smul.u32 $0xF7A, s1;
	s8 =	simm.s32 @!p0 $0x1BF5;
	p2 =	por !p2, p0  }
0x20: {  	[sflag:s8] =	ssyncset.s32 @!p0 $0xFFFFF086;
	s6 =	sadd.s32 @!p0 s3, s7;
	s7 =	simm.s32 @!p0 $0x108  }
0x21: {  	s3 =	sadd.s32 s3, s9;
	s6 =	sadd.s32 @!p0 $0x88, s6;
	s7 =	simm.s32 @p2 $0x1082  }
0x22: {  	[simem:s7], [sflag:s8] =	dma.local @!p0 [hbm:s6], $0xF7A  }
0x23: {  	s9 =	sor.u32 $0xD0000000, s2;
	s6 =	simm.s32 $0x108;
	_ =	swait.ge @!p0 [sflag:s8], $0x0  }
0x24: {  	s3 =	sadd.s32 $0x88, s3;
	s6 =	simm.s32 @!p1 $0x1082;
	[sflag:s4] =	ssyncset.s32 $0xFFFFF086  }
0x25: {  	[simem:s6], [sflag:s4] =	dma.local [hbm:s3], $0xF7A  }
0x26: {  	[smem:$0x3F8C] =	sst s1;
	(tag) =	ssettag s2;
	_ =	strace s9  }
0x27: {  	s1 =	sld [smem:$0x3F9C]  }
0x28: {  	s2 =	sld [smem:$0x3F9D]  }
0x29: {  	s4 =	sld [smem:$0x3F9F]  }
0x2a: {  	p0 =	seq.s32 s5, $0x0;
	s5 =	sld [smem:$0x3FA0]  }
0x2b: {  	s6 =	sld [smem:$0x3FA1]  }
0x2c: {  	s7 =	sld [smem:$0x3FA2]  }
0x2d: {  	s3 =	simm.s32 $0x108;
	s8 =	sld [smem:$0x3FA3]  }
0x2e: {  	s3 =	simm.s32 @!p0 $0x1082;
	s9 =	sld [smem:$0x3FA4]  }
0x2f: {  	lr =	sadd.s32 s0, s3;
	s0 =	sld [smem:$0x3F9B]  }
0x30: {  	s3 =	sld [smem:$0x3F9E]  }
0x31: {  	[smem:$0x3FA7] =	sst s10  }
0x32: {  	s10 =	sld [smem:$0x3FA5];
	_ =	sdelay $0x3  }
0x33: {  	p0 =	seq.s32 s10, $0x1;
	s10 =	sld [smem:$0x3FA7];
	_ =	sdelay $0x3  }
0x34: {  	[smem:$0x3FA7] =	sst s10  }
0x35: {  	s10 =	sld [smem:$0x3FA6];
	_ =	sdelay $0x3  }
0x36: {  	p1 =	seq.s32 s10, $0x1;
	s10 =	sld [smem:$0x3FA7];
	_ =	sdelay $0x3  }
0x37: {  	[smem:$0x3FA7] =	sst s10  }
0x38: {  	s10 =	sld [smem:$0x3FA8]  }
0x39: {  	_ = 	snop;
	(pc) =	sbr.ind lr, $3  }
0x3a: {  	_ = 	snop  }
0x3b: {  	_ = 	snop  }
0x3c: {  	p2 =	seq.s32 s10, $0x1;
	s10 =	sld [smem:$0x3FA7]  }
0x3d: {  	_ =	shalt  }
0x3e: {  	_ =	shalt  }
0x3f: {  	_ =	shalt  }
0x40: {  	_ =	shalt  }
0x41: {  	_ =	shalt  }
0x42: {  	_ =	shalt  }
0x43: {  	_ =	shalt  }
0x44: {  	_ =	shalt  }
0x45: {  	_ =	shalt  }
0x46: {  	_ =	shalt  }
0x47: {  	_ =	shalt  }
0x48: {  	_ =	shalt  }
0x49: {  	_ =	shalt  }
0x4a: {  	_ =	shalt  }
0x4b: {  	_ =	shalt  }
0x4c: {  	_ =	shalt  }
0x4d: {  	_ =	shalt  }
0x4e: {  	_ =	shalt  }
0x4f: {  	_ =	shalt  }
0x50: {  	_ =	shalt  }
0x51: {  	_ =	shalt  }
0x52: {  	_ =	shalt  }
0x53: {  	_ =	shalt  }
0x54: {  	_ =	shalt  }
0x55: {  	_ =	shalt  }
0x56: {  	_ =	shalt  }
0x57: {  	_ =	shalt  }
0x58: {  	_ =	shalt  }
0x59: {  	_ =	shalt  }
0x5a: {  	_ =	shalt  }
0x5b: {  	_ =	shalt  }
0x5c: {  	_ =	shalt  }
0x5d: {  	_ =	shalt  }
0x5e: {  	_ =	shalt  }
0x5f: {  	_ =	shalt  }
0x60: {  	_ =	shalt  }
0x61: {  	_ =	shalt  }
0x62: {  	_ =	shalt  }
0x63: {  	_ =	shalt  }
0x64: {  	_ =	shalt  }
0x65: {  	_ =	shalt  }
0x66: {  	_ =	shalt  }
0x67: {  	_ =	shalt  }
0x68: {  	_ =	shalt  }
0x69: {  	_ =	shalt  }
0x6a: {  	_ =	shalt  }
0x6b: {  	_ =	shalt  }
0x6c: {  	_ =	shalt  }
0x6d: {  	_ =	shalt  }
0x6e: {  	_ =	shalt  }
0x6f: {  	_ =	shalt  }
0x70: {  	_ =	shalt  }
0x71: {  	_ =	shalt  }
0x72: {  	_ =	shalt  }
0x73: {  	_ =	shalt  }
0x74: {  	_ =	shalt  }
0x75: {  	_ =	shalt  }
0x76: {  	_ =	shalt  }
0x77: {  	_ =	shalt  }
0x78: {  	_ =	shalt  }
0x79: {  	_ =	shalt  }
0x7a: {  	_ =	shalt  }
0x7b: {  	_ =	shalt  }
0x7c: {  	_ =	shalt  }
0x7d: {  	_ =	shalt  }
0x7e: {  	_ =	shalt  }
0x7f: {  	_ =	shalt  }
0x80: {  	_ =	shalt  }
0x81: {  	_ =	shalt  }
0x82: {  	_ =	shalt  }
0x83: {  	_ =	shalt  }
0x84: {  	_ =	shalt  }
0x85: {  	_ =	shalt  }
0x86: {  	_ =	shalt  }
0x87: {  	_ =	shalt  }
.Lfunc_end0:
.L_simem_size_0:
called_computation.1_lowered:
.L_overlay_start_0:
0x88: {  	s2 =	sld [smem:$0x3FD9]  }
0x89: {  	s3 =	sld [smem:$0x3FFE];
	_ =	sdelay $0x1  }
0x8a: {  	s1 =	srdreg.scid  }
0x8b: {  	s0 =	sand.u32 $0x1, s1  }
0x8c: {  	s14 =	sshll.u32 s0, $0xA;
	s2 =	sadd.s32 s3, s2  }
0x8d: {  	s2 =	sadd.s32 s2, s14  }
0x8e: {  	[smem:$0x3FB3] =	sst s2  }
0x8f: {  	_ = 	snop  }
0x90: {  	s2 =	sld [smem:$0x3FD0];
	_ =	sdelay $0x2  }
0x91: {  	s15 =	simm.s32 $0xA;
	s4 =	simm.s32 $0x10  }
0x92: {  	[smem:s4], [sflag:s15] =	dma.local [hbm:s2], $0x1  }
0x93: {  	_ =	swait.eq [sflag:s15], $0x1  }
0x94: {  	[sflag:s15] =	ssyncset.done $0x0  }
0x95: {  	[sflag:s15] =	ssyncadd.s32 $0xFFFFFFFF  }
0x96: {  	s16 =	sld [smem:$0x10];
	(tm) =	ssettm $0x1  }
0x97: {  	s17 =	sld [smem:$0x3FFB];
	_ =	sdelay $0x3  }
0x98: {  	_ =	strace s17  }
0x99: {  	s3 =	sld [smem:$0x3FFC];
	_ =	sdelay $0x3  }
0x9a: {  	_ =	strace s3  }
0x9b: {  	s3 =	sld [smem:$0x3FFD];
	_ =	sdelay $0x3  }
0x9c: {  	_ =	strace s3  }
0x9d: {  	_ =	strace $0x8FFFFFFF  }
0x9e: {  	s18 =	sld [smem:$0x3FDB];
	_ =	sdelay $0x1  }
0x9f: {  	s19 =	simm.s32 $_scs_section_size  }
0xa0: {  	s5 =	simm.s32 $_size__tile_overlayer_lowered;
	s6 =	simm.s32 $_tile_overlayer_lowered  }
0xa1: {  	s22 =	simm.s32 $0x1BFF;
	s21 =	sshll.u32 s6, $0x1;
	s3 =	sadd.s32 s19, s18  }
0xa2: {  	s7 =	simm.s32 $0x0;
	s20 =	sshll.u32 s5, $0x1;
	s5 =	sadd.s32 s21, s3  }
0xa3: {  	[timem:s7], [sflag:s22] =	dma.local [hbm:s5], s20  }
0xa4: {  	_ =	swait.ge [sflag:s22], s20  }
0xa5: {  	s4 =	ssub.s32 $0x0, s20;
	[sflag:s22] =	ssyncset.done $0x0  }
0xa6: {  	[sflag:s22] =	ssyncadd.s32 s4;
	_ =	sdelay $0x1  }
0xa7: {  	s23 =	simm.s32 $0x1B8B  }
0xa8: {  	_ =	swait.ge [sflag:s23], $0x1  }
0xa9: {  	[sflag:s23] =	ssyncset.done $0x0  }
0xaa: {  	s25 =	simm.s32 $0x1B8E;
	s24 =	sld [smem:$0x3FFE];
	[sflag:s23] =	ssyncadd.s32 $0xFFFFFFFF  }
0xab: {  	s26 =	simm.s32 $execute0_lowered;
	[smem:$0x3FD2] =	sst s25  }
0xac: {  	s5 =	sshll.u32 s26, $0x1;
	_ =	strace $0x80000049;
	[dreg:$0x1] =	wrdreg $0xFFFFFFFF  }
0xad: {  	s28 =	simm.s32 $_size_execute0_lowered;
	s3 =	sadd.s32 s3, s5;
	[dreg:$0x0] =	wrdreg $0x0  }
0xae: {  	s5 =	sshll.u32 s28, $0x1;
	[dreg:$0x2] =	wrdreg s3  }
0xaf: {  	[dreg:$0x3] =	wrdreg s5  }
0xb0: {  	[dreg:$0x4] =	wrdreg $0xC0  }
0xb1: {  	_ =	task [dreg:s7], $0x5FFFF  }
0xb2: {  	[dreg:$0x1] =	wrdreg $0xFFFFFFFF  }
0xb3: {  	[dreg:$0x0] =	wrdreg $0x60  }
0xb4: {  	[dreg:$0x2] =	wrdreg s16  }
0xb5: {  	[dreg:$0x3] =	wrdreg s24  }
0xb6: {  	[dreg:$0x4] =	wrdreg $0x90000  }
0xb7: {  	[dreg:$0x5] =	wrdreg $0x9  }
0xb8: {  	_ =	task.clear_ibuf [dreg:s7], $0x6FFFF;
	_ =	strace $0x90000049  }
0xb9: {  	s29 =	simm.s32 $0x9;
	_ =	strace $0x8000004B  }
0xba: {  	_ =	swait.ge [sflag:s29], $0x1  }
0xbb: {  	[sflag:s29] =	ssyncadd.s32 $0xFFFFFFFF  }
0xbc: {  	_ =	strace $0x9000004B  }
0xbd: {  	_ =	sfence  }
0xbe: {  	s30 =	sld [smem:$0x0];
	_ =	sdelay $0x2  }
0xbf: {  	s31 =	sshll.u32 s1, $0xD;
	s1 =	sshrl.u32 s1, $0x2  }
0xc0: {  	s3 =	sand.u32 $0x4000, s31;
	s1 =	sadd.s32 s1, s30  }
0xc1: {  	s0 =	sor.u32 s3, s0;
	s1 =	sshll.u32 s1, $0x11  }
0xc2: {  	s0 =	sor.u32 s1, s0  }
0xc3: {  	s0 =	sadd.s32 $0x8F2B, s0  }
0xc4: {  	[sflag:s0] =	ssyncadd.remote.s32 $0x1  }
0xc5: {  	_ =	sfence.sel $0xFFFF  }
0xc6: {  	[dreg:$0x0] =	wrdreg $0xFFFFFFFF;
	(pc) =	sbr.abs _section_cstart, $3  }
0xc7: {  	[dreg:$0x1] =	wrdreg $0xFFFFFFFF  }
0xc8: {  	_ =	task.clear_ibuf [dreg:s7], $0x2FFFF;
	_ =	strace $0x9FFFFFFF  }
0xc9: {  	(tm) =	ssettm $0x7FFFFFFF  }
tec
execute0_lowered:
.L_overlay_start_1:
0x0: {  	(tag) =	ssettag $0x1  }
0x1: {  	s1 =	rddreg [dreg:$0x0]  }
0x2: {  	s0 =	srdreg.scid;
	s7 =	rddreg [dreg:$0x1]  }
0x3: {  	s3 =	rddreg [dreg:$0x2];
	s4 =	simm.s32 $0x0;
	s14 =	simm.s32 $0x80  }
0x4: {  	s15 =	simm.s32 $0x5000;
	s16 =	simm.s32 $0x1;
	s6 =	sand.u32 $0x1, s0  }
0x5: {  	s17 =	simm.s32 $0x0;
	s0 =	stileid.u32;
	s8 =	smul.u32 $0x13C000, s6  }
0x6: {  	[smem:$0x7FF] =	sst s4;
	s2 =	sshll.u32 s6, $0x4;
	s9 =	smul.u32 $0x13C00, s0  }
0x7: {  	s28 =	smul.u32 $0x4F000, s0;
	s6 =	ssub.s32 $0x2, s6;
	s2 =	sor.u32 s0, s2  }
0x8: {  	s31 =	sshll.u32 s0, $0x6;
	s29 =	sshrl.u32 s6, $0x1;
	s5 =	smul.u32 $0x500, s2  }
0x9: {  	s2 =	rddreg [dreg:$0x3];
	_ =	strace $0x8000004A;
	s8 =	sadd.s32 s9, s8  }
0xa: {  	s30 =	sshrl.u32 s28, $0x2;
	s12 =	ssub.s32 s6, s29;
	s6 =	sor.u32 $0x1C02, s31  }
0xb: {  	s8 =	sshrl.u32 s8, $0x3;
	s13 =	sadd.s32 s30, s3;
	s10 =	sadd.s32 s5, s7  }
0xc: {  	s5 =	sadd.s32 $0x18000, s7;
	s11 =	sadd.s32 s8, s7;
	s7 =	sadd.s32 $0x4000, s10  }
0xd: {  	s8 =	sadd.s32 $0xE000, s10;
	s9 =	sadd.s32 $0x1A800, s11;
	s10 =	smax.u32 s12, $0x1  }
0xe: {  	s11 =	sshrl.u32 s13, $0x3;
	s12 =	simm.s32 $0x2;
	s13 =	simm.s32 $0x2800  }
.LBB2_1:
0xf: {  	[spmem:s11], [sflag:s6] =	dma.local [hbm:s5], $0x2780  }
0x10: {  	_ =	swait.ge [sflag:s12], $0x2780  }
0x11: {  	[sflag:s12] =	ssyncset.done $0x0  }
0x12: {  	[sflag:s12] =	ssyncadd.s32 $0xFFFFD880  }
0x13: {  	[tilespmem:s4], [sflag:$0x2] =	stream.linear.gather [hbm4b:s7+s4], $0x2800, $0x38;
	[tilespmem:$0x1CC00] =	vst v63  }
0x14: {  	_ =	swait.ge [sflag:s12], $0x2800  }
0x15: {  	[sflag:s12] =	ssyncset.done $0x0  }
0x16: {  	[sflag:s12] =	ssyncadd.s32 $0xFFFFD800  }
0x17: {  	[tilespmem:s13], [sflag:$0x2] =	stream.linear.gather [hbm4b:s8+s4], $0x2800, $0x38;
	[tilespmem:$0x1CC00] =	vst v63  }
0x18: {  	_ =	swait.ge [sflag:s12], $0x2800  }
0x19: {  	[sflag:s12] =	ssyncset.done $0x0  }
0x1a: {  	[sflag:s12] =	ssyncadd.s32 $0xFFFFD800  }
0x1b: {  	s18 =	simm.s32 $0x0;
	[bflag:$0x0] =	sbarrier.arrive $0xFFFF  }
0x1c: {  	[tilespmem:s15], [sflag:$0x1] =	stream.indirect.gather [hbm4b:s1+s14], $0x80, s18, s14, $0xb8;
	[tilespmem:$0x1CC00] =	vst v63  }
0x1d: {  	_ =	swait.ge [sflag:s16], $0x4000  }
0x1e: {  	[sflag:s16] =	ssyncset.done $0x0  }
0x1f: {  	s31 =	simm.s32 $0x2800;
	[sflag:s16] =	ssyncadd.s32 $0xFFFFC000  }
0x20: {  	[spmem:s3] =	stream.indirect.scatter.add.f32 [tilespmem:s15], [sflag:$0x2], $0x80, s31, s14, $0xb8;
	[tilespmem:$0x1CC00] =	vst v63  }
0x21: {  	_ =	swait.ge [sflag:s12], $0x4000  }
0x22: {  	s19 =	simm.s32 $0x400;
	s18 =	simm.s32 $0x200;
	[sflag:s12] =	ssyncset.done $0x0  }
.LBB2_2:
0x23: {  	s20 =	sshra.s32 s18, $0x2  }
0x24: {  	[sflag:s12] =	ssyncadd.s32 $0xFFFFC000;
	s18 =	smov.u32 s19;
	s21 =	sadd.s32 $0x200, s19  }
0x25: {  	[tilespmem:s15], [sflag:$0x1] =	stream.indirect.gather [hbm4b:s1+s14], $0x80, s20, s14, $0xb8;
	[tilespmem:$0x1CC00] =	vst v63  }
0x26: {  	p0 =	sne.s32 s19, $0x9E00;
	_ =	swait.ge [sflag:s16], $0x4000  }
.Ltmp0:
0x27: {  	[sflag:s16] =	ssyncset.done $0x0;
	(pc) =	sbr.rel @p0 .LBB2_2-.Ltmp0, $4  }
0x28: {  	s19 =	sadd.s32 $0x2800, s20;
	[sflag:s16] =	ssyncadd.s32 $0xFFFFC000  }
0x29: {  	[spmem:s3] =	stream.indirect.scatter.add.f32 [tilespmem:s15], [sflag:$0x2], $0x80, s19, s14, $0xb8;
	[tilespmem:$0x1CC00] =	vst v63  }
0x2a: {  	_ =	swait.ge [sflag:s12], $0x4000  }
0x2b: {  	s19 =	smov.u32 s21;
	[sflag:s12] =	ssyncset.done $0x0  }
0x2c: {  	s18 =	sshra.s32 s18, $0x2;
	[sflag:s12] =	ssyncadd.s32 $0xFFFFC000  }
0x2d: {  	[tilespmem:s15], [sflag:$0x1] =	stream.indirect.gather [hbm4b:s1+s14], $0x80, s18, s14, $0xb8;
	[tilespmem:$0x1CC00] =	vst v63  }
0x2e: {  	_ =	swait.ge [sflag:s16], $0x4000  }
0x2f: {  	[sflag:s16] =	ssyncset.done $0x0  }
0x30: {  	s18 =	sadd.s32 $0x2800, s18;
	[sflag:s16] =	ssyncadd.s32 $0xFFFFC000  }
0x31: {  	[spmem:s3] =	stream.indirect.scatter.add.f32 [tilespmem:s15], [sflag:$0x2], $0x80, s18, s14, $0xb8;
	[tilespmem:$0x1CC00] =	vst v63  }
0x32: {  	_ =	swait.ge [sflag:s12], $0x4000  }
0x33: {  	s17 =	sadd.s32 $0x1, s17;
	[sflag:s12] =	ssyncset.done $0x0  }
0x34: {  	p0 =	sne.s32 s17, s10;
	[sflag:s12] =	ssyncadd.s32 $0xFFFFC000  }
.Ltmp1:
0x35: {  	[bflag:$0x0] =	sbarrier.arrive $0xFFFF;
	(pc) =	sbr.rel @p0 .LBB2_1-.Ltmp1, $4  }
0x36: {  	[hbm:s9], [sflag:s6] =	dma.local [spmem:s11], $0x2780  }
0x37: {  	_ =	swait.ge [sflag:s12], $0x2780  }
0x38: {  	[sflag:s12] =	ssyncset.done $0x0  }
0x39: {  	[sflag:s12] =	ssyncadd.s32 $0xFFFFD880  }
0x3a: {  	_ =	sfence.sel $0x180000  }
0x3b: {  	[bflag:$0x0] =	sbarrier.arrive $0xFFFF  }
0x3c: {  	p0 =	sne.s32 s0, $0x0;
	_ =	strace $0x9000004A  }
0x3d: {  	s0 =	sadd.s32 @!p0 $0x100000, s2;
	[bflag:$0x2] =	sbarrier.arrive $0xFFFF  }
0x3e: {  	[sflag:s0] =	ssyncadd.tile.s32 @!p0 $0x1;
	_ =	shalt  }
.Lfunc_end2:
_tile_overlayer_lowered:
.L_overlay_start_2:
0x3f: {  	(tag) =	ssettag $0x2  }
0x40: {  	s0 =	rddreg [dreg:$0x0];
	s2 =	stileid.u32  }
0x41: {  	s1 =	rddreg [dreg:$0x1];
	p0 =	sne.s32 s2, $0x0  }
0x42: {  	s3 =	rddreg [dreg:$0x2];
	[bflag:$0x3] =	sbarrier.arrive $0xFFFF;
	s2 =	simm.s32 @!p0 $0x1C02  }
0x43: {  	[timem:s3], [sflag:s2] =	dma.local @!p0 [hbm:s0], s1  }
0x44: {  	s0 =	simm.s32 @!p0 $0x2  }
0x45: {  	_ =	swait.ge @!p0 [sflag:s0], s1  }
0x46: {  	s1 =	ssub.s32 @!p0 $0x0, s1;
	[sflag:s0] =	ssyncset.done @!p0 $0x0  }
0x47: {  	[sflag:s0] =	ssyncadd.s32 @!p0 s1  }
0x48: {  	[bflag:$0x3] =	sbarrier.arrive $0xFFFF  }
0x49: {  	_ =	shalt  }

// kernel: kernel.14.cloned.1.call-start
scs
__scs_entry_jumppad:
0x0: {  	(pc) =	sbr.rel $0x88, $3  }
0x1: {  	(tag) =	ssettag $0x0;
	lr =	simm.s32 $0x1  }
0x2: {  	[smem:$0x3F8C] =	sst lr;
	_ =	strace $0xD0000000  }
0x3: {  	_ = 	snop  }
0x4: {  	_ = 	snop  }
0x5: {  	_ = 	snop  }
0x6: {  	_ = 	snop  }
0x7: {  	_ = 	snop  }
__scs_overlays_trampoline_lowered:
0x8: {  	[smem:$0x3F9B] =	sst s0  }
0x9: {  	[smem:$0x3F9C] =	sst s1  }
0xa: {  	[smem:$0x3F9D] =	sst s2  }
0xb: {  	[smem:$0x3F9E] =	sst s3  }
0xc: {  	[smem:$0x3F9F] =	sst s4  }
0xd: {  	[smem:$0x3FA0] =	sst s5  }
0xe: {  	[smem:$0x3FA1] =	sst s6  }
0xf: {  	[smem:$0x3FA2] =	sst s7  }
0x10: {  	[smem:$0x3FA3] =	sst s8  }
0x11: {  	[smem:$0x3FA4] =	sst s9;
	s0 =	simm.s32 @!p0 $0x0  }
0x12: {  	s1 =	sld [smem:$0x3F8A];
	s0 =	simm.s32 @p0 $0x1  }
0x13: {  	[smem:$0x3FA5] =	sst s0;
	s0 =	simm.s32 @!p1 $0x0  }
0x14: {  	s2 =	sld [smem:$0x3F89];
	s0 =	simm.s32 @p1 $0x1  }
0x15: {  	[smem:$0x3FA6] =	sst s0;
	s0 =	simm.s32 @!p2 $0x0  }
0x16: {  	s3 =	sld [smem:$0x3FDB];
	s0 =	simm.s32 @p2 $0x1  }
0x17: {  	s4 =	simm.s32 $0x1BF5;
	[smem:$0x3FA8] =	sst s0  }
0x18: {  	s0 =	sld [smem:$0x3F8B];
	_ =	swait.ge [sflag:s4], $0x0  }
0x19: {  	s7 =	sld [smem:$0x3F8C]  }
0x1a: {  	s8 =	sadd.s32 $0xFFFFE003, lr  }
0x1b: {  	s9 =	sadd.s32 $0xFFFFFEF7, lr;
	s5 =	simm.s32 $0xFFFFFFFF;
	p2 =	slt.u32 s8, $0xFFFFF086  }
0x1c: {  	p1 =	slt.u32 s9, $0xF7A;
	s5 =	simm.s32 @!p2 $0x0  }
0x1d: {  	s5 =	simm.s32 @p1 $0x1;
	p0 =	seq.s32 s7, s2  }
0x1e: {  	s7 =	smul.u32 @!p0 $0xF7A, s2;
	p2 =	seq.s32 @!p0 s5, $0x0  }
0x1f: {  	s9 =	smul.u32 $0xF7A, s1;
	s8 =	simm.s32 @!p0 $0x1BF5;
	p2 =	por !p2, p0  }
0x20: {  	[sflag:s8] =	ssyncset.s32 @!p0 $0xFFFFF086;
	s6 =	sadd.s32 @!p0 s3, s7;
	s7 =	simm.s32 @!p0 $0x108  }
0x21: {  	s3 =	sadd.s32 s3, s9;
	s6 =	sadd.s32 @!p0 $0x88, s6;
	s7 =	simm.s32 @p2 $0x1082  }
0x22: {  	[simem:s7], [sflag:s8] =	dma.local @!p0 [hbm:s6], $0xF7A  }
0x23: {  	s9 =	sor.u32 $0xD0000000, s2;
	s6 =	simm.s32 $0x108;
	_ =	swait.ge @!p0 [sflag:s8], $0x0  }
0x24: {  	s3 =	sadd.s32 $0x88, s3;
	s6 =	simm.s32 @!p1 $0x1082;
	[sflag:s4] =	ssyncset.s32 $0xFFFFF086  }
0x25: {  	[simem:s6], [sflag:s4] =	dma.local [hbm:s3], $0xF7A  }
0x26: {  	[smem:$0x3F8C] =	sst s1;
	(tag) =	ssettag s2;
	_ =	strace s9  }
0x27: {  	s1 =	sld [smem:$0x3F9C]  }
0x28: {  	s2 =	sld [smem:$0x3F9D]  }
0x29: {  	s4 =	sld [smem:$0x3F9F]  }
0x2a: {  	p0 =	seq.s32 s5, $0x0;
	s5 =	sld [smem:$0x3FA0]  }
0x2b: {  	s6 =	sld [smem:$0x3FA1]  }
0x2c: {  	s7 =	sld [smem:$0x3FA2]  }
0x2d: {  	s3 =	simm.s32 $0x108;
	s8 =	sld [smem:$0x3FA3]  }
0x2e: {  	s3 =	simm.s32 @!p0 $0x1082;
	s9 =	sld [smem:$0x3FA4]  }
0x2f: {  	lr =	sadd.s32 s0, s3;
	s0 =	sld [smem:$0x3F9B]  }
0x30: {  	s3 =	sld [smem:$0x3F9E]  }
0x31: {  	[smem:$0x3FA7] =	sst s10  }
0x32: {  	s10 =	sld [smem:$0x3FA5];
	_ =	sdelay $0x3  }
0x33: {  	p0 =	seq.s32 s10, $0x1;
	s10 =	sld [smem:$0x3FA7];
	_ =	sdelay $0x3  }
0x34: {  	[smem:$0x3FA7] =	sst s10  }
0x35: {  	s10 =	sld [smem:$0x3FA6];
	_ =	sdelay $0x3  }
0x36: {  	p1 =	seq.s32 s10, $0x1;
	s10 =	sld [smem:$0x3FA7];
	_ =	sdelay $0x3  }
0x37: {  	[smem:$0x3FA7] =	sst s10  }
0x38: {  	s10 =	sld [smem:$0x3FA8]  }
0x39: {  	_ = 	snop;
	(pc) =	sbr.ind lr, $3  }
0x3a: {  	_ = 	snop  }
0x3b: {  	_ = 	snop  }
0x3c: {  	p2 =	seq.s32 s10, $0x1;
	s10 =	sld [smem:$0x3FA7]  }
0x3d: {  	_ =	shalt  }
0x3e: {  	_ =	shalt  }
0x3f: {  	_ =	shalt  }
0x40: {  	_ =	shalt  }
0x41: {  	_ =	shalt  }
0x42: {  	_ =	shalt  }
0x43: {  	_ =	shalt  }
0x44: {  	_ =	shalt  }
0x45: {  	_ =	shalt  }
0x46: {  	_ =	shalt  }
0x47: {  	_ =	shalt  }
0x48: {  	_ =	shalt  }
0x49: {  	_ =	shalt  }
0x4a: {  	_ =	shalt  }
0x4b: {  	_ =	shalt  }
0x4c: {  	_ =	shalt  }
0x4d: {  	_ =	shalt  }
0x4e: {  	_ =	shalt  }
0x4f: {  	_ =	shalt  }
0x50: {  	_ =	shalt  }
0x51: {  	_ =	shalt  }
0x52: {  	_ =	shalt  }
0x53: {  	_ =	shalt  }
0x54: {  	_ =	shalt  }
0x55: {  	_ =	shalt  }
0x56: {  	_ =	shalt  }
0x57: {  	_ =	shalt  }
0x58: {  	_ =	shalt  }
0x59: {  	_ =	shalt  }
0x5a: {  	_ =	shalt  }
0x5b: {  	_ =	shalt  }
0x5c: {  	_ =	shalt  }
0x5d: {  	_ =	shalt  }
0x5e: {  	_ =	shalt  }
0x5f: {  	_ =	shalt  }
0x60: {  	_ =	shalt  }
0x61: {  	_ =	shalt  }
0x62: {  	_ =	shalt  }
0x63: {  	_ =	shalt  }
0x64: {  	_ =	shalt  }
0x65: {  	_ =	shalt  }
0x66: {  	_ =	shalt  }
0x67: {  	_ =	shalt  }
0x68: {  	_ =	shalt  }
0x69: {  	_ =	shalt  }
0x6a: {  	_ =	shalt  }
0x6b: {  	_ =	shalt  }
0x6c: {  	_ =	shalt  }
0x6d: {  	_ =	shalt  }
0x6e: {  	_ =	shalt  }
0x6f: {  	_ =	shalt  }
0x70: {  	_ =	shalt  }
0x71: {  	_ =	shalt  }
0x72: {  	_ =	shalt  }
0x73: {  	_ =	shalt  }
0x74: {  	_ =	shalt  }
0x75: {  	_ =	shalt  }
0x76: {  	_ =	shalt  }
0x77: {  	_ =	shalt  }
0x78: {  	_ =	shalt  }
0x79: {  	_ =	shalt  }
0x7a: {  	_ =	shalt  }
0x7b: {  	_ =	shalt  }
0x7c: {  	_ =	shalt  }
0x7d: {  	_ =	shalt  }
0x7e: {  	_ =	shalt  }
0x7f: {  	_ =	shalt  }
0x80: {  	_ =	shalt  }
0x81: {  	_ =	shalt  }
0x82: {  	_ =	shalt  }
0x83: {  	_ =	shalt  }
0x84: {  	_ =	shalt  }
0x85: {  	_ =	shalt  }
0x86: {  	_ =	shalt  }
0x87: {  	_ =	shalt  }
.Lfunc_end0:
.L_simem_size_0:
called_computation.2_lowered:
.L_overlay_start_0:
0x88: {  	s2 =	sld [smem:$0x3FD9]  }
0x89: {  	s3 =	sld [smem:$0x3FFE];
	_ =	sdelay $0x1  }
0x8a: {  	s1 =	srdreg.scid  }
0x8b: {  	s0 =	sand.u32 $0x1, s1  }
0x8c: {  	s14 =	sshll.u32 s0, $0xA;
	s2 =	sadd.s32 s3, s2  }
0x8d: {  	s2 =	sadd.s32 s2, s14  }
0x8e: {  	[smem:$0x3FB3] =	sst s2  }
0x8f: {  	_ = 	snop  }
0x90: {  	s2 =	sld [smem:$0x3FD0];
	_ =	sdelay $0x2  }
0x91: {  	s15 =	simm.s32 $0xA;
	s4 =	simm.s32 $0x10  }
0x92: {  	[smem:s4], [sflag:s15] =	dma.local [hbm:s2], $0x1  }
0x93: {  	_ =	swait.eq [sflag:s15], $0x1  }
0x94: {  	[sflag:s15] =	ssyncset.done $0x0  }
0x95: {  	[sflag:s15] =	ssyncadd.s32 $0xFFFFFFFF  }
0x96: {  	s16 =	sld [smem:$0x10];
	(tm) =	ssettm $0x1  }
0x97: {  	s17 =	sld [smem:$0x3FFB];
	_ =	sdelay $0x3  }
0x98: {  	_ =	strace s17  }
0x99: {  	s3 =	sld [smem:$0x3FFC];
	_ =	sdelay $0x3  }
0x9a: {  	_ =	strace s3  }
0x9b: {  	s3 =	sld [smem:$0x3FFD];
	_ =	sdelay $0x3  }
0x9c: {  	_ =	strace s3  }
0x9d: {  	_ =	strace $0x8FFFFFFF  }
0x9e: {  	s18 =	sld [smem:$0x3FDB];
	_ =	sdelay $0x1  }
0x9f: {  	s19 =	simm.s32 $_scs_section_size  }
0xa0: {  	s5 =	simm.s32 $_size__tile_overlayer_lowered;
	s6 =	simm.s32 $_tile_overlayer_lowered  }
0xa1: {  	s22 =	simm.s32 $0x1BFF;
	s21 =	sshll.u32 s6, $0x1;
	s3 =	sadd.s32 s19, s18  }
0xa2: {  	s7 =	simm.s32 $0x0;
	s20 =	sshll.u32 s5, $0x1;
	s5 =	sadd.s32 s21, s3  }
0xa3: {  	[timem:s7], [sflag:s22] =	dma.local [hbm:s5], s20  }
0xa4: {  	_ =	swait.ge [sflag:s22], s20  }
0xa5: {  	s4 =	ssub.s32 $0x0, s20;
	[sflag:s22] =	ssyncset.done $0x0  }
0xa6: {  	[sflag:s22] =	ssyncadd.s32 s4;
	_ =	sdelay $0x1  }
0xa7: {  	s23 =	simm.s32 $0x1B8B  }
0xa8: {  	_ =	swait.ge [sflag:s23], $0x1  }
0xa9: {  	[sflag:s23] =	ssyncset.done $0x0  }
0xaa: {  	s25 =	simm.s32 $0x1B8E;
	s24 =	sld [smem:$0x3FFE];
	[sflag:s23] =	ssyncadd.s32 $0xFFFFFFFF  }
0xab: {  	s26 =	simm.s32 $execute0_lowered;
	[smem:$0x3FD2] =	sst s25  }
0xac: {  	s5 =	sshll.u32 s26, $0x1;
	_ =	strace $0x8000004C;
	[dreg:$0x1] =	wrdreg $0xFFFFFFFF  }
0xad: {  	s28 =	simm.s32 $_size_execute0_lowered;
	s3 =	sadd.s32 s3, s5;
	[dreg:$0x0] =	wrdreg $0x0  }
0xae: {  	s5 =	sshll.u32 s28, $0x1;
	[dreg:$0x2] =	wrdreg s3  }
0xaf: {  	[dreg:$0x3] =	wrdreg s5  }
0xb0: {  	[dreg:$0x4] =	wrdreg $0xC0  }
0xb1: {  	_ =	task [dreg:s7], $0x5FFFF  }
0xb2: {  	[dreg:$0x1] =	wrdreg $0xFFFFFFFF  }
0xb3: {  	[dreg:$0x0] =	wrdreg $0x60  }
0xb4: {  	[dreg:$0x2] =	wrdreg s16  }
0xb5: {  	[dreg:$0x3] =	wrdreg s24  }
0xb6: {  	[dreg:$0x4] =	wrdreg $0x90000  }
0xb7: {  	[dreg:$0x5] =	wrdreg $0x9  }
0xb8: {  	_ =	task.clear_ibuf [dreg:s7], $0x6FFFF;
	_ =	strace $0x9000004C  }
0xb9: {  	s29 =	simm.s32 $0x9;
	_ =	strace $0x8000004E  }
0xba: {  	_ =	swait.ge [sflag:s29], $0x1  }
0xbb: {  	[sflag:s29] =	ssyncadd.s32 $0xFFFFFFFF  }
0xbc: {  	_ =	strace $0x9000004E  }
0xbd: {  	_ =	sfence  }
0xbe: {  	s30 =	sld [smem:$0x0];
	_ =	sdelay $0x2  }
0xbf: {  	s31 =	sshll.u32 s1, $0xD;
	s1 =	sshrl.u32 s1, $0x2  }
0xc0: {  	s3 =	sand.u32 $0x4000, s31;
	s1 =	sadd.s32 s1, s30  }
0xc1: {  	s0 =	sor.u32 s3, s0;
	s1 =	sshll.u32 s1, $0x11  }
0xc2: {  	s0 =	sor.u32 s1, s0  }
0xc3: {  	s0 =	sadd.s32 $0x8F2B, s0  }
0xc4: {  	[sflag:s0] =	ssyncadd.remote.s32 $0x1  }
0xc5: {  	_ =	sfence.sel $0xFFFF  }
0xc6: {  	[dreg:$0x0] =	wrdreg $0xFFFFFFFF;
	(pc) =	sbr.abs _section_cstart, $3  }
0xc7: {  	[dreg:$0x1] =	wrdreg $0xFFFFFFFF  }
0xc8: {  	_ =	task.clear_ibuf [dreg:s7], $0x2FFFF;
	_ =	strace $0x9FFFFFFF  }
0xc9: {  	(tm) =	ssettm $0x7FFFFFFF  }
tec
execute0_lowered:
.L_overlay_start_1:
0x0: {  	(tag) =	ssettag $0x1  }
0x1: {  	s1 =	rddreg [dreg:$0x0]  }
0x2: {  	s0 =	srdreg.scid;
	s7 =	rddreg [dreg:$0x1]  }
0x3: {  	s3 =	rddreg [dreg:$0x2];
	s4 =	simm.s32 $0x0;
	s14 =	simm.s32 $0x80  }
0x4: {  	s15 =	simm.s32 $0x5000;
	s16 =	simm.s32 $0x1;
	s6 =	sand.u32 $0x1, s0  }
0x5: {  	s17 =	simm.s32 $0x0;
	s0 =	stileid.u32;
	s8 =	smul.u32 $0x13C000, s6  }
0x6: {  	[smem:$0x7FF] =	sst s4;
	s2 =	sshll.u32 s6, $0x4;
	s9 =	smul.u32 $0x13C00, s0  }
0x7: {  	s28 =	smul.u32 $0x4F000, s0;
	s6 =	ssub.s32 $0x2, s6;
	s2 =	sor.u32 s0, s2  }
0x8: {  	s31 =	sshll.u32 s0, $0x6;
	s29 =	sshrl.u32 s6, $0x1;
	s5 =	smul.u32 $0x500, s2  }
0x9: {  	s2 =	rddreg [dreg:$0x3];
	_ =	strace $0x8000004D;
	s8 =	sadd.s32 s9, s8  }
0xa: {  	s30 =	sshrl.u32 s28, $0x2;
	s12 =	ssub.s32 s6, s29;
	s6 =	sor.u32 $0x1C02, s31  }
0xb: {  	s8 =	sshrl.u32 s8, $0x3;
	s13 =	sadd.s32 s30, s3;
	s10 =	sadd.s32 s5, s7  }
0xc: {  	s5 =	sadd.s32 $0x18000, s7;
	s11 =	sadd.s32 s8, s7;
	s7 =	sadd.s32 $0x4000, s10  }
0xd: {  	s8 =	sadd.s32 $0xE000, s10;
	s9 =	sadd.s32 $0x1A800, s11;
	s10 =	smax.u32 s12, $0x1  }
0xe: {  	s11 =	sshrl.u32 s13, $0x3;
	s12 =	simm.s32 $0x2;
	s13 =	simm.s32 $0x2800  }
.LBB2_1:
0xf: {  	[spmem:s11], [sflag:s6] =	dma.local [hbm:s5], $0x2780  }
0x10: {  	_ =	swait.ge [sflag:s12], $0x2780  }
0x11: {  	[sflag:s12] =	ssyncset.done $0x0  }
0x12: {  	[sflag:s12] =	ssyncadd.s32 $0xFFFFD880  }
0x13: {  	[tilespmem:s4], [sflag:$0x2] =	stream.linear.gather [hbm4b:s7+s4], $0x2800, $0x38;
	[tilespmem:$0x1CC00] =	vst v63  }
0x14: {  	_ =	swait.ge [sflag:s12], $0x2800  }
0x15: {  	[sflag:s12] =	ssyncset.done $0x0  }
0x16: {  	[sflag:s12] =	ssyncadd.s32 $0xFFFFD800  }
0x17: {  	[tilespmem:s13], [sflag:$0x2] =	stream.linear.gather [hbm4b:s8+s4], $0x2800, $0x38;
	[tilespmem:$0x1CC00] =	vst v63  }
0x18: {  	_ =	swait.ge [sflag:s12], $0x2800  }
0x19: {  	[sflag:s12] =	ssyncset.done $0x0  }
0x1a: {  	[sflag:s12] =	ssyncadd.s32 $0xFFFFD800  }
0x1b: {  	s18 =	simm.s32 $0x0;
	[bflag:$0x0] =	sbarrier.arrive $0xFFFF  }
0x1c: {  	[tilespmem:s15], [sflag:$0x1] =	stream.indirect.gather [hbm4b:s1+s14], $0x80, s18, s14, $0xb8;
	[tilespmem:$0x1CC00] =	vst v63  }
0x1d: {  	_ =	swait.ge [sflag:s16], $0x4000  }
0x1e: {  	[sflag:s16] =	ssyncset.done $0x0  }
0x1f: {  	s31 =	simm.s32 $0x2800;
	[sflag:s16] =	ssyncadd.s32 $0xFFFFC000  }
0x20: {  	[spmem:s3] =	stream.indirect.scatter.add.f32 [tilespmem:s15], [sflag:$0x2], $0x80, s31, s14, $0xb8;
	[tilespmem:$0x1CC00] =	vst v63  }
0x21: {  	_ =	swait.ge [sflag:s12], $0x4000  }
0x22: {  	s19 =	simm.s32 $0x400;
	s18 =	simm.s32 $0x200;
	[sflag:s12] =	ssyncset.done $0x0  }
.LBB2_2:
0x23: {  	s20 =	sshra.s32 s18, $0x2  }
0x24: {  	[sflag:s12] =	ssyncadd.s32 $0xFFFFC000;
	s18 =	smov.u32 s19;
	s21 =	sadd.s32 $0x200, s19  }
0x25: {  	[tilespmem:s15], [sflag:$0x1] =	stream.indirect.gather [hbm4b:s1+s14], $0x80, s20, s14, $0xb8;
	[tilespmem:$0x1CC00] =	vst v63  }
0x26: {  	p0 =	sne.s32 s19, $0x9E00;
	_ =	swait.ge [sflag:s16], $0x4000  }
.Ltmp0:
0x27: {  	[sflag:s16] =	ssyncset.done $0x0;
	(pc) =	sbr.rel @p0 .LBB2_2-.Ltmp0, $4  }
0x28: {  	s19 =	sadd.s32 $0x2800, s20;
	[sflag:s16] =	ssyncadd.s32 $0xFFFFC000  }
0x29: {  	[spmem:s3] =	stream.indirect.scatter.add.f32 [tilespmem:s15], [sflag:$0x2], $0x80, s19, s14, $0xb8;
	[tilespmem:$0x1CC00] =	vst v63  }
0x2a: {  	_ =	swait.ge [sflag:s12], $0x4000  }
0x2b: {  	s19 =	smov.u32 s21;
	[sflag:s12] =	ssyncset.done $0x0  }
0x2c: {  	s18 =	sshra.s32 s18, $0x2;
	[sflag:s12] =	ssyncadd.s32 $0xFFFFC000  }
0x2d: {  	[tilespmem:s15], [sflag:$0x1] =	stream.indirect.gather [hbm4b:s1+s14], $0x80, s18, s14, $0xb8;
	[tilespmem:$0x1CC00] =	vst v63  }
0x2e: {  	_ =	swait.ge [sflag:s16], $0x4000  }
0x2f: {  	[sflag:s16] =	ssyncset.done $0x0  }
0x30: {  	s18 =	sadd.s32 $0x2800, s18;
	[sflag:s16] =	ssyncadd.s32 $0xFFFFC000  }
0x31: {  	[spmem:s3] =	stream.indirect.scatter.add.f32 [tilespmem:s15], [sflag:$0x2], $0x80, s18, s14, $0xb8;
	[tilespmem:$0x1CC00] =	vst v63  }
0x32: {  	_ =	swait.ge [sflag:s12], $0x4000  }
0x33: {  	s17 =	sadd.s32 $0x1, s17;
	[sflag:s12] =	ssyncset.done $0x0  }
0x34: {  	p0 =	sne.s32 s17, s10;
	[sflag:s12] =	ssyncadd.s32 $0xFFFFC000  }
.Ltmp1:
0x35: {  	[bflag:$0x0] =	sbarrier.arrive $0xFFFF;
	(pc) =	sbr.rel @p0 .LBB2_1-.Ltmp1, $4  }
0x36: {  	[hbm:s9], [sflag:s6] =	dma.local [spmem:s11], $0x2780  }
0x37: {  	_ =	swait.ge [sflag:s12], $0x2780  }
0x38: {  	[sflag:s12] =	ssyncset.done $0x0  }
0x39: {  	[sflag:s12] =	ssyncadd.s32 $0xFFFFD880  }
0x3a: {  	_ =	sfence.sel $0x180000  }
0x3b: {  	[bflag:$0x0] =	sbarrier.arrive $0xFFFF  }
0x3c: {  	p0 =	sne.s32 s0, $0x0;
	_ =	strace $0x9000004D  }
0x3d: {  	s0 =	sadd.s32 @!p0 $0x100000, s2;
	[bflag:$0x2] =	sbarrier.arrive $0xFFFF  }
0x3e: {  	[sflag:s0] =	ssyncadd.tile.s32 @!p0 $0x1;
	_ =	shalt  }
.Lfunc_end2:
_tile_overlayer_lowered:
.L_overlay_start_2:
0x3f: {  	(tag) =	ssettag $0x2  }
0x40: {  	s0 =	rddreg [dreg:$0x0];
	s2 =	stileid.u32  }
0x41: {  	s1 =	rddreg [dreg:$0x1];
	p0 =	sne.s32 s2, $0x0  }
0x42: {  	s3 =	rddreg [dreg:$0x2];
	[bflag:$0x3] =	sbarrier.arrive $0xFFFF;
	s2 =	simm.s32 @!p0 $0x1C02  }
0x43: {  	[timem:s3], [sflag:s2] =	dma.local @!p0 [hbm:s0], s1  }
0x44: {  	s0 =	simm.s32 @!p0 $0x2  }
0x45: {  	_ =	swait.ge @!p0 [sflag:s0], s1  }
0x46: {  	s1 =	ssub.s32 @!p0 $0x0, s1;
	[sflag:s0] =	ssyncset.done @!p0 $0x0  }
0x47: {  	[sflag:s0] =	ssyncadd.s32 @!p0 s1  }
0x48: {  	[bflag:$0x3] =	sbarrier.arrive $0xFFFF  }
0x49: {  	_ =	shalt  }

// kernel: kernel.8.cloned.1.call-start
scs
__scs_entry_jumppad:
0x0: {  	(pc) =	sbr.rel $0x88, $3  }
0x1: {  	(tag) =	ssettag $0x0;
	lr =	simm.s32 $0x1  }
0x2: {  	[smem:$0x3F8C] =	sst lr;
	_ =	strace $0xD0000000  }
0x3: {  	_ = 	snop  }
0x4: {  	_ = 	snop  }
0x5: {  	_ = 	snop  }
0x6: {  	_ = 	snop  }
0x7: {  	_ = 	snop  }
__scs_overlays_trampoline_lowered:
0x8: {  	[smem:$0x3F9B] =	sst s0  }
0x9: {  	[smem:$0x3F9C] =	sst s1  }
0xa: {  	[smem:$0x3F9D] =	sst s2  }
0xb: {  	[smem:$0x3F9E] =	sst s3  }
0xc: {  	[smem:$0x3F9F] =	sst s4  }
0xd: {  	[smem:$0x3FA0] =	sst s5  }
0xe: {  	[smem:$0x3FA1] =	sst s6  }
0xf: {  	[smem:$0x3FA2] =	sst s7  }
0x10: {  	[smem:$0x3FA3] =	sst s8  }
0x11: {  	[smem:$0x3FA4] =	sst s9;
	s0 =	simm.s32 @!p0 $0x0  }
0x12: {  	s1 =	sld [smem:$0x3F8A];
	s0 =	simm.s32 @p0 $0x1  }
0x13: {  	[smem:$0x3FA5] =	sst s0;
	s0 =	simm.s32 @!p1 $0x0  }
0x14: {  	s2 =	sld [smem:$0x3F89];
	s0 =	simm.s32 @p1 $0x1  }
0x15: {  	[smem:$0x3FA6] =	sst s0;
	s0 =	simm.s32 @!p2 $0x0  }
0x16: {  	s3 =	sld [smem:$0x3FDB];
	s0 =	simm.s32 @p2 $0x1  }
0x17: {  	s4 =	simm.s32 $0x1BF5;
	[smem:$0x3FA8] =	sst s0  }
0x18: {  	s0 =	sld [smem:$0x3F8B];
	_ =	swait.ge [sflag:s4], $0x0  }
0x19: {  	s7 =	sld [smem:$0x3F8C]  }
0x1a: {  	s8 =	sadd.s32 $0xFFFFE003, lr  }
0x1b: {  	s9 =	sadd.s32 $0xFFFFFEF7, lr;
	s5 =	simm.s32 $0xFFFFFFFF;
	p2 =	slt.u32 s8, $0xFFFFF086  }
0x1c: {  	p1 =	slt.u32 s9, $0xF7A;
	s5 =	simm.s32 @!p2 $0x0  }
0x1d: {  	s5 =	simm.s32 @p1 $0x1;
	p0 =	seq.s32 s7, s2  }
0x1e: {  	s7 =	smul.u32 @!p0 $0xF7A, s2;
	p2 =	seq.s32 @!p0 s5, $0x0  }
0x1f: {  	s9 =	smul.u32 $0xF7A, s1;
	s8 =	simm.s32 @!p0 $0x1BF5;
	p2 =	por !p2, p0  }
0x20: {  	[sflag:s8] =	ssyncset.s32 @!p0 $0xFFFFF086;
	s6 =	sadd.s32 @!p0 s3, s7;
	s7 =	simm.s32 @!p0 $0x108  }
0x21: {  	s3 =	sadd.s32 s3, s9;
	s6 =	sadd.s32 @!p0 $0x88, s6;
	s7 =	simm.s32 @p2 $0x1082  }
0x22: {  	[simem:s7], [sflag:s8] =	dma.local @!p0 [hbm:s6], $0xF7A  }
0x23: {  	s9 =	sor.u32 $0xD0000000, s2;
	s6 =	simm.s32 $0x108;
	_ =	swait.ge @!p0 [sflag:s8], $0x0  }
0x24: {  	s3 =	sadd.s32 $0x88, s3;
	s6 =	simm.s32 @!p1 $0x1082;
	[sflag:s4] =	ssyncset.s32 $0xFFFFF086  }
0x25: {  	[simem:s6], [sflag:s4] =	dma.local [hbm:s3], $0xF7A  }
0x26: {  	[smem:$0x3F8C] =	sst s1;
	(tag) =	ssettag s2;
	_ =	strace s9  }
0x27: {  	s1 =	sld [smem:$0x3F9C]  }
0x28: {  	s2 =	sld [smem:$0x3F9D]  }
0x29: {  	s4 =	sld [smem:$0x3F9F]  }
0x2a: {  	p0 =	seq.s32 s5, $0x0;
	s5 =	sld [smem:$0x3FA0]  }
0x2b: {  	s6 =	sld [smem:$0x3FA1]  }
0x2c: {  	s7 =	sld [smem:$0x3FA2]  }
0x2d: {  	s3 =	simm.s32 $0x108;
	s8 =	sld [smem:$0x3FA3]  }
0x2e: {  	s3 =	simm.s32 @!p0 $0x1082;
	s9 =	sld [smem:$0x3FA4]  }
0x2f: {  	lr =	sadd.s32 s0, s3;
	s0 =	sld [smem:$0x3F9B]  }
0x30: {  	s3 =	sld [smem:$0x3F9E]  }
0x31: {  	[smem:$0x3FA7] =	sst s10  }
0x32: {  	s10 =	sld [smem:$0x3FA5];
	_ =	sdelay $0x3  }
0x33: {  	p0 =	seq.s32 s10, $0x1;
	s10 =	sld [smem:$0x3FA7];
	_ =	sdelay $0x3  }
0x34: {  	[smem:$0x3FA7] =	sst s10  }
0x35: {  	s10 =	sld [smem:$0x3FA6];
	_ =	sdelay $0x3  }
0x36: {  	p1 =	seq.s32 s10, $0x1;
	s10 =	sld [smem:$0x3FA7];
	_ =	sdelay $0x3  }
0x37: {  	[smem:$0x3FA7] =	sst s10  }
0x38: {  	s10 =	sld [smem:$0x3FA8]  }
0x39: {  	_ = 	snop;
	(pc) =	sbr.ind lr, $3  }
0x3a: {  	_ = 	snop  }
0x3b: {  	_ = 	snop  }
0x3c: {  	p2 =	seq.s32 s10, $0x1;
	s10 =	sld [smem:$0x3FA7]  }
0x3d: {  	_ =	shalt  }
0x3e: {  	_ =	shalt  }
0x3f: {  	_ =	shalt  }
0x40: {  	_ =	shalt  }
0x41: {  	_ =	shalt  }
0x42: {  	_ =	shalt  }
0x43: {  	_ =	shalt  }
0x44: {  	_ =	shalt  }
0x45: {  	_ =	shalt  }
0x46: {  	_ =	shalt  }
0x47: {  	_ =	shalt  }
0x48: {  	_ =	shalt  }
0x49: {  	_ =	shalt  }
0x4a: {  	_ =	shalt  }
0x4b: {  	_ =	shalt  }
0x4c: {  	_ =	shalt  }
0x4d: {  	_ =	shalt  }
0x4e: {  	_ =	shalt  }
0x4f: {  	_ =	shalt  }
0x50: {  	_ =	shalt  }
0x51: {  	_ =	shalt  }
0x52: {  	_ =	shalt  }
0x53: {  	_ =	shalt  }
0x54: {  	_ =	shalt  }
0x55: {  	_ =	shalt  }
0x56: {  	_ =	shalt  }
0x57: {  	_ =	shalt  }
0x58: {  	_ =	shalt  }
0x59: {  	_ =	shalt  }
0x5a: {  	_ =	shalt  }
0x5b: {  	_ =	shalt  }
0x5c: {  	_ =	shalt  }
0x5d: {  	_ =	shalt  }
0x5e: {  	_ =	shalt  }
0x5f: {  	_ =	shalt  }
0x60: {  	_ =	shalt  }
0x61: {  	_ =	shalt  }
0x62: {  	_ =	shalt  }
0x63: {  	_ =	shalt  }
0x64: {  	_ =	shalt  }
0x65: {  	_ =	shalt  }
0x66: {  	_ =	shalt  }
0x67: {  	_ =	shalt  }
0x68: {  	_ =	shalt  }
0x69: {  	_ =	shalt  }
0x6a: {  	_ =	shalt  }
0x6b: {  	_ =	shalt  }
0x6c: {  	_ =	shalt  }
0x6d: {  	_ =	shalt  }
0x6e: {  	_ =	shalt  }
0x6f: {  	_ =	shalt  }
0x70: {  	_ =	shalt  }
0x71: {  	_ =	shalt  }
0x72: {  	_ =	shalt  }
0x73: {  	_ =	shalt  }
0x74: {  	_ =	shalt  }
0x75: {  	_ =	shalt  }
0x76: {  	_ =	shalt  }
0x77: {  	_ =	shalt  }
0x78: {  	_ =	shalt  }
0x79: {  	_ =	shalt  }
0x7a: {  	_ =	shalt  }
0x7b: {  	_ =	shalt  }
0x7c: {  	_ =	shalt  }
0x7d: {  	_ =	shalt  }
0x7e: {  	_ =	shalt  }
0x7f: {  	_ =	shalt  }
0x80: {  	_ =	shalt  }
0x81: {  	_ =	shalt  }
0x82: {  	_ =	shalt  }
0x83: {  	_ =	shalt  }
0x84: {  	_ =	shalt  }
0x85: {  	_ =	shalt  }
0x86: {  	_ =	shalt  }
0x87: {  	_ =	shalt  }
.Lfunc_end0:
.L_simem_size_0:
called_computation_lowered:
.L_overlay_start_0:
0x88: {  	s2 =	sld [smem:$0x3FD9]  }
0x89: {  	s3 =	sld [smem:$0x3FFE];
	_ =	sdelay $0x1  }
0x8a: {  	s1 =	srdreg.scid  }
0x8b: {  	s0 =	sand.u32 $0x1, s1  }
0x8c: {  	s17 =	sshll.u32 s0, $0xA;
	s2 =	sadd.s32 s3, s2  }
0x8d: {  	s2 =	sadd.s32 s2, s17  }
0x8e: {  	[smem:$0x3FB3] =	sst s2  }
0x8f: {  	_ = 	snop  }
0x90: {  	s2 =	sld [smem:$0x3FC9];
	(tm) =	ssettm $0x1  }
0x91: {  	s18 =	sld [smem:$0x3FFB];
	_ =	sdelay $0x3  }
0x92: {  	_ =	strace s18  }
0x93: {  	s3 =	sld [smem:$0x3FFC];
	_ =	sdelay $0x3  }
0x94: {  	_ =	strace s3  }
0x95: {  	s3 =	sld [smem:$0x3FFD];
	_ =	sdelay $0x3  }
0x96: {  	_ =	strace s3  }
0x97: {  	_ =	strace $0x8FFFFFFF  }
0x98: {  	s19 =	sld [smem:$0x3FDB];
	_ =	sdelay $0x1  }
0x99: {  	s4 =	simm.s32 $_scs_section_size  }
0x9a: {  	s5 =	simm.s32 $_size__tile_overlayer_lowered;
	s6 =	simm.s32 $_tile_overlayer_lowered  }
0x9b: {  	s22 =	simm.s32 $0x1BFF;
	s21 =	sshll.u32 s6, $0x1;
	s3 =	sadd.s32 s4, s19  }
0x9c: {  	s7 =	simm.s32 $0x0;
	s20 =	sshll.u32 s5, $0x1;
	s5 =	sadd.s32 s21, s3  }
0x9d: {  	[timem:s7], [sflag:s22] =	dma.local [hbm:s5], s20  }
0x9e: {  	_ =	swait.ge [sflag:s22], s20  }
0x9f: {  	s4 =	ssub.s32 $0x0, s20;
	[sflag:s22] =	ssyncset.done $0x0  }
0xa0: {  	[sflag:s22] =	ssyncadd.s32 s4;
	_ =	sdelay $0x1  }
0xa1: {  	s23 =	simm.s32 $0x1B8B  }
0xa2: {  	_ =	swait.ge [sflag:s23], $0x1  }
0xa3: {  	[sflag:s23] =	ssyncset.done $0x0  }
0xa4: {  	s25 =	simm.s32 $0x1B8E;
	s24 =	sld [smem:$0x3FFE];
	[sflag:s23] =	ssyncadd.s32 $0xFFFFFFFF  }
0xa5: {  	s26 =	simm.s32 $execute0_lowered;
	[smem:$0x3FD2] =	sst s25  }
0xa6: {  	s5 =	sshll.u32 s26, $0x1;
	_ =	strace $0x80000046;
	[dreg:$0x1] =	wrdreg $0xFFFFFFFF  }
0xa7: {  	s28 =	simm.s32 $_size_execute0_lowered;
	s3 =	sadd.s32 s3, s5;
	[dreg:$0x0] =	wrdreg $0x0  }
0xa8: {  	s5 =	sshll.u32 s28, $0x1;
	[dreg:$0x2] =	wrdreg s3  }
0xa9: {  	[dreg:$0x3] =	wrdreg s5  }
0xaa: {  	[dreg:$0x4] =	wrdreg $0xC0  }
0xab: {  	_ =	task [dreg:s7], $0x5FFFF  }
0xac: {  	[dreg:$0x1] =	wrdreg $0xFFFFFFFF  }
0xad: {  	[dreg:$0x0] =	wrdreg $0x60  }
0xae: {  	[dreg:$0x2] =	wrdreg s2  }
0xaf: {  	[dreg:$0x3] =	wrdreg s24  }
0xb0: {  	[dreg:$0x4] =	wrdreg $0x90000  }
0xb1: {  	[dreg:$0x5] =	wrdreg $0x9  }
0xb2: {  	_ =	task.clear_ibuf [dreg:s7], $0x6FFFF;
	_ =	strace $0x90000046  }
0xb3: {  	s29 =	simm.s32 $0x9;
	_ =	strace $0x80000048  }
0xb4: {  	_ =	swait.ge [sflag:s29], $0x1  }
0xb5: {  	[sflag:s29] =	ssyncadd.s32 $0xFFFFFFFF  }
0xb6: {  	_ =	strace $0x90000048  }
0xb7: {  	_ =	sfence  }
0xb8: {  	s30 =	sld [smem:$0x0];
	_ =	sdelay $0x2  }
0xb9: {  	s31 =	sshll.u32 s1, $0xD;
	s1 =	sshrl.u32 s1, $0x2  }
0xba: {  	s3 =	sand.u32 $0x4000, s31;
	s1 =	sadd.s32 s1, s30  }
0xbb: {  	s0 =	sor.u32 s3, s0;
	s1 =	sshll.u32 s1, $0x11  }
0xbc: {  	s0 =	sor.u32 s1, s0  }
0xbd: {  	s0 =	sadd.s32 $0x8F2B, s0  }
0xbe: {  	[sflag:s0] =	ssyncadd.remote.s32 $0x1  }
0xbf: {  	_ =	sfence.sel $0xFFFF  }
0xc0: {  	[dreg:$0x0] =	wrdreg $0xFFFFFFFF;
	(pc) =	sbr.abs _section_cstart, $3  }
0xc1: {  	[dreg:$0x1] =	wrdreg $0xFFFFFFFF  }
0xc2: {  	_ =	task.clear_ibuf [dreg:s7], $0x2FFFF;
	_ =	strace $0x9FFFFFFF  }
0xc3: {  	(tm) =	ssettm $0x7FFFFFFF  }
tec
execute0_lowered:
.L_overlay_start_1:
0x0: {  	(tag) =	ssettag $0x1  }
0x1: {  	s1 =	rddreg [dreg:$0x0]  }
0x2: {  	s0 =	srdreg.scid;
	s7 =	rddreg [dreg:$0x1]  }
0x3: {  	s3 =	rddreg [dreg:$0x2];
	s4 =	simm.s32 $0x0;
	s14 =	simm.s32 $0x80  }
0x4: {  	s15 =	simm.s32 $0x5000;
	s16 =	simm.s32 $0x1;
	s6 =	sand.u32 $0x1, s0  }
0x5: {  	s17 =	simm.s32 $0x0;
	s0 =	stileid.u32;
	s8 =	smul.u32 $0x13C000, s6  }
0x6: {  	[smem:$0x7FF] =	sst s4;
	s2 =	sshll.u32 s6, $0x4;
	s9 =	smul.u32 $0x13C00, s0  }
0x7: {  	s28 =	smul.u32 $0x4F000, s0;
	s6 =	ssub.s32 $0x2, s6;
	s2 =	sor.u32 s0, s2  }
0x8: {  	s31 =	sshll.u32 s0, $0x6;
	s29 =	sshrl.u32 s6, $0x1;
	s5 =	smul.u32 $0x500, s2  }
0x9: {  	s2 =	rddreg [dreg:$0x3];
	_ =	strace $0x80000047;
	s8 =	sadd.s32 s9, s8  }
0xa: {  	s30 =	sshrl.u32 s28, $0x2;
	s12 =	ssub.s32 s6, s29;
	s6 =	sor.u32 $0x1C02, s31  }
0xb: {  	s8 =	sshrl.u32 s8, $0x3;
	s13 =	sadd.s32 s30, s3;
	s10 =	sadd.s32 s5, s7  }
0xc: {  	s5 =	sadd.s32 $0x18000, s7;
	s11 =	sadd.s32 s8, s7;
	s7 =	sadd.s32 $0x4000, s10  }
0xd: {  	s8 =	sadd.s32 $0xE000, s10;
	s9 =	sadd.s32 $0x1A800, s11;
	s10 =	smax.u32 s12, $0x1  }
0xe: {  	s11 =	sshrl.u32 s13, $0x3;
	s12 =	simm.s32 $0x2;
	s13 =	simm.s32 $0x2800  }
.LBB2_1:
0xf: {  	[spmem:s11], [sflag:s6] =	dma.local [hbm:s5], $0x2780  }
0x10: {  	_ =	swait.ge [sflag:s12], $0x2780  }
0x11: {  	[sflag:s12] =	ssyncset.done $0x0  }
0x12: {  	[sflag:s12] =	ssyncadd.s32 $0xFFFFD880  }
0x13: {  	[tilespmem:s4], [sflag:$0x2] =	stream.linear.gather [hbm4b:s7+s4], $0x2800, $0x38;
	[tilespmem:$0x1CC00] =	vst v63  }
0x14: {  	_ =	swait.ge [sflag:s12], $0x2800  }
0x15: {  	[sflag:s12] =	ssyncset.done $0x0  }
0x16: {  	[sflag:s12] =	ssyncadd.s32 $0xFFFFD800  }
0x17: {  	[tilespmem:s13], [sflag:$0x2] =	stream.linear.gather [hbm4b:s8+s4], $0x2800, $0x38;
	[tilespmem:$0x1CC00] =	vst v63  }
0x18: {  	_ =	swait.ge [sflag:s12], $0x2800  }
0x19: {  	[sflag:s12] =	ssyncset.done $0x0  }
0x1a: {  	[sflag:s12] =	ssyncadd.s32 $0xFFFFD800  }
0x1b: {  	s18 =	simm.s32 $0x0;
	[bflag:$0x0] =	sbarrier.arrive $0xFFFF  }
0x1c: {  	[tilespmem:s15], [sflag:$0x1] =	stream.indirect.gather [hbm4b:s1+s14], $0x80, s18, s14, $0xb8;
	[tilespmem:$0x1CC00] =	vst v63  }
0x1d: {  	_ =	swait.ge [sflag:s16], $0x4000  }
0x1e: {  	[sflag:s16] =	ssyncset.done $0x0  }
0x1f: {  	s31 =	simm.s32 $0x2800;
	[sflag:s16] =	ssyncadd.s32 $0xFFFFC000  }
0x20: {  	[spmem:s3] =	stream.indirect.scatter.add.f32 [tilespmem:s15], [sflag:$0x2], $0x80, s31, s14, $0xb8;
	[tilespmem:$0x1CC00] =	vst v63  }
0x21: {  	_ =	swait.ge [sflag:s12], $0x4000  }
0x22: {  	s19 =	simm.s32 $0x400;
	s18 =	simm.s32 $0x200;
	[sflag:s12] =	ssyncset.done $0x0  }
.LBB2_2:
0x23: {  	s20 =	sshra.s32 s18, $0x2  }
0x24: {  	[sflag:s12] =	ssyncadd.s32 $0xFFFFC000;
	s18 =	smov.u32 s19;
	s21 =	sadd.s32 $0x200, s19  }
0x25: {  	[tilespmem:s15], [sflag:$0x1] =	stream.indirect.gather [hbm4b:s1+s14], $0x80, s20, s14, $0xb8;
	[tilespmem:$0x1CC00] =	vst v63  }
0x26: {  	p0 =	sne.s32 s19, $0x9E00;
	_ =	swait.ge [sflag:s16], $0x4000  }
.Ltmp0:
0x27: {  	[sflag:s16] =	ssyncset.done $0x0;
	(pc) =	sbr.rel @p0 .LBB2_2-.Ltmp0, $4  }
0x28: {  	s19 =	sadd.s32 $0x2800, s20;
	[sflag:s16] =	ssyncadd.s32 $0xFFFFC000  }
0x29: {  	[spmem:s3] =	stream.indirect.scatter.add.f32 [tilespmem:s15], [sflag:$0x2], $0x80, s19, s14, $0xb8;
	[tilespmem:$0x1CC00] =	vst v63  }
0x2a: {  	_ =	swait.ge [sflag:s12], $0x4000  }
0x2b: {  	s19 =	smov.u32 s21;
	[sflag:s12] =	ssyncset.done $0x0  }
0x2c: {  	s18 =	sshra.s32 s18, $0x2;
	[sflag:s12] =	ssyncadd.s32 $0xFFFFC000  }
0x2d: {  	[tilespmem:s15], [sflag:$0x1] =	stream.indirect.gather [hbm4b:s1+s14], $0x80, s18, s14, $0xb8;
	[tilespmem:$0x1CC00] =	vst v63  }
0x2e: {  	_ =	swait.ge [sflag:s16], $0x4000  }
0x2f: {  	[sflag:s16] =	ssyncset.done $0x0  }
0x30: {  	s18 =	sadd.s32 $0x2800, s18;
	[sflag:s16] =	ssyncadd.s32 $0xFFFFC000  }
0x31: {  	[spmem:s3] =	stream.indirect.scatter.add.f32 [tilespmem:s15], [sflag:$0x2], $0x80, s18, s14, $0xb8;
	[tilespmem:$0x1CC00] =	vst v63  }
0x32: {  	_ =	swait.ge [sflag:s12], $0x4000  }
0x33: {  	s17 =	sadd.s32 $0x1, s17;
	[sflag:s12] =	ssyncset.done $0x0  }
0x34: {  	p0 =	sne.s32 s17, s10;
	[sflag:s12] =	ssyncadd.s32 $0xFFFFC000  }
.Ltmp1:
0x35: {  	[bflag:$0x0] =	sbarrier.arrive $0xFFFF;
	(pc) =	sbr.rel @p0 .LBB2_1-.Ltmp1, $4  }
0x36: {  	[hbm:s9], [sflag:s6] =	dma.local [spmem:s11], $0x2780  }
0x37: {  	_ =	swait.ge [sflag:s12], $0x2780  }
0x38: {  	[sflag:s12] =	ssyncset.done $0x0  }
0x39: {  	[sflag:s12] =	ssyncadd.s32 $0xFFFFD880  }
0x3a: {  	_ =	sfence.sel $0x180000  }
0x3b: {  	[bflag:$0x0] =	sbarrier.arrive $0xFFFF  }
0x3c: {  	p0 =	sne.s32 s0, $0x0;
	_ =	strace $0x90000047  }
0x3d: {  	s0 =	sadd.s32 @!p0 $0x100000, s2;
	[bflag:$0x2] =	sbarrier.arrive $0xFFFF  }
0x3e: {  	[sflag:s0] =	ssyncadd.tile.s32 @!p0 $0x1;
	_ =	shalt  }
.Lfunc_end2:
_tile_overlayer_lowered:
.L_overlay_start_2:
0x3f: {  	(tag) =	ssettag $0x2  }
0x40: {  	s0 =	rddreg [dreg:$0x0];
	s2 =	stileid.u32  }
0x41: {  	s1 =	rddreg [dreg:$0x1];
	p0 =	sne.s32 s2, $0x0  }
0x42: {  	s3 =	rddreg [dreg:$0x2];
	[bflag:$0x3] =	sbarrier.arrive $0xFFFF;
	s2 =	simm.s32 @!p0 $0x1C02  }
0x43: {  	[timem:s3], [sflag:s2] =	dma.local @!p0 [hbm:s0], s1  }
0x44: {  	s0 =	simm.s32 @!p0 $0x2  }
0x45: {  	_ =	swait.ge @!p0 [sflag:s0], s1  }
0x46: {  	s1 =	ssub.s32 @!p0 $0x0, s1;
	[sflag:s0] =	ssyncset.done @!p0 $0x0  }
0x47: {  	[sflag:s0] =	ssyncadd.s32 @!p0 s1  }
0x48: {  	[bflag:$0x3] =	sbarrier.arrive $0xFFFF  }
0x49: {  	_ =	shalt  }

</sc_bundles>
